<compile_context>
chip_gen: v7x
topology: tpu7x:2x2x1
jax: 0.10.2.dev20260603
libtpu: 0.0.44.dev20260713+nightly
codegen_flags: <defaults>
</compile_context>

<pallas_src>
import functools

import jax
import jax.numpy as jnp
from jax import lax
from jax.experimental import pallas as pl
from jax.experimental.pallas import tpu as pltpu
from jax.experimental.pallas import tpu_sc as plsc

N_NODES = 10000
D = 128
N_EDGES = 320000
BN_EPS = 1e-5

NC = 2
NS = 16
NW = NC * NS
CHUNK = 80
EDGES_PER_TILE = N_EDGES // NW
NITER = -(-EDGES_PER_TILE // CHUNK)
E_TILE_PAD = NITER * CHUNK
N_PAD = 10240
ROWS_PER_TILE = N_PAD // NS
NBUF = 3


def _sc_segment_sum(x, packed3):
    mesh = plsc.VectorSubcoreMesh(core_axis_name="c", subcore_axis_name="s")

    @functools.partial(
        pl.kernel,
        out_type=jax.ShapeDtypeStruct((NC, N_PAD, D), jnp.float32),
        mesh=mesh,
        scratch_types=[
            pltpu.VMEM((NBUF, CHUNK), jnp.int32),
            pltpu.VMEM((NBUF, CHUNK), jnp.int32),
            pltpu.VMEM((NBUF, CHUNK), jnp.int32),
            pltpu.VMEM((NBUF, CHUNK, D), jnp.float32),
            pltpu.VMEM_SHARED((N_PAD, D), jnp.float32),
            pltpu.SemaphoreType.DMA((NBUF,)),
            pltpu.SemaphoreType.DMA((NBUF,)),
            pltpu.SemaphoreType.DMA((NBUF,)),
        ],
    )
    def seg_sum(x_hbm, pk_hbm, out_hbm,
                pk_v, su_v, du_v, rows_v, agg_sh, gsem, ssem, isem):
        c = lax.axis_index("c")
        s = lax.axis_index("s")
        wid = s * NC + c

        zv = jnp.zeros((16,), jnp.float32)

        def zrow(r, carry):
            for t in range(D // 16):
                rows_v[0, r, pl.ds(16 * t, 16)] = zv
            return carry

        lax.fori_loop(0, CHUNK, zrow, 0)
        for t in range(ROWS_PER_TILE // CHUNK):
            pltpu.sync_copy(
                rows_v.at[0],
                agg_sh.at[pl.ds(s * ROWS_PER_TILE + t * CHUNK, CHUNK)])
        plsc.subcore_barrier()

        def ifetch(j, k):
            pltpu.async_copy(pk_hbm.at[wid].at[j], pk_v.at[k], isem.at[k])

        def ifetch_wait(j, k):
            pltpu.make_async_copy(pk_hbm.at[wid].at[j], pk_v.at[k],
                                  isem.at[k]).wait()

        def unpack_and_gather(k):
            for t in range(CHUNK // 16):
                w = pk_v[k, pl.ds(t * 16, 16)]
                su_v[k, pl.ds(t * 16, 16)] = lax.bitwise_and(w, 0xFFFF)
                du_v[k, pl.ds(t * 16, 16)] = lax.shift_right_logical(w, 16)
            pltpu.async_copy(x_hbm.at[su_v.at[k]], rows_v.at[k], gsem.at[k])

        def gather_wait(k):
            pltpu.make_async_copy(x_hbm.at[su_v.at[k]], rows_v.at[k],
                                  gsem.at[k]).wait()

        def scatter(k):
            pltpu.async_copy(rows_v.at[k], agg_sh.at[du_v.at[k]], ssem.at[k],
                             add=True)

        def scatter_wait(k):
            pltpu.make_async_copy(rows_v.at[k], agg_sh.at[du_v.at[k]],
                                  ssem.at[k]).wait()

        ifetch(0, 0)
        ifetch_wait(0, 0)
        unpack_and_gather(0)
        ifetch(1, 1)
        ifetch_wait(1, 1)
        unpack_and_gather(1)
        ifetch(2, 2)

        def step(j, k):
            @pl.when(j >= 1)
            def _():
                scatter_wait((k + 2) % NBUF)

            @pl.when(j + 2 < NITER)
            def _():
                ifetch_wait(j + 2, (k + 2) % NBUF)
                unpack_and_gather((k + 2) % NBUF)

            @pl.when(j + 3 < NITER)
            def _():
                ifetch(j + 3, k)

            gather_wait(k)
            scatter(k)

        def body(i, carry):
            for k in range(NBUF):
                j = NBUF * i + k

                @pl.when(j < NITER)
                def _(j=j, k=k):
                    step(j, k)
            return carry

        lax.fori_loop(0, (NITER + NBUF - 1) // NBUF, body, 0)
        scatter_wait((NITER - 1) % NBUF)
        plsc.subcore_barrier()

        r0 = s * ROWS_PER_TILE
        pltpu.sync_copy(agg_sh.at[pl.ds(r0, ROWS_PER_TILE)],
                        out_hbm.at[c].at[pl.ds(r0, ROWS_PER_TILE)])

    return seg_sum(x, packed3)


def _tc_mlp_bn(x, partials, W1, b1, W2, b2, gamma, beta):
    def body(x_ref, p_ref, w1_ref, b1_ref, w2_ref, b2_ref, g_ref, bt_ref, o_ref):
        h = x_ref[...] + p_ref[0, :N_NODES] + p_ref[1, :N_NODES]
        h = jnp.dot(h, w1_ref[...], preferred_element_type=jnp.float32) + b1_ref[...]
        h = jnp.maximum(h, 0.0)
        h = jnp.dot(h, w2_ref[...], preferred_element_type=jnp.float32) + b2_ref[...]
        h = jnp.maximum(h, 0.0)
        mean = jnp.sum(h, axis=0, keepdims=True) * (1.0 / N_NODES)
        d0 = h - mean
        var = jnp.sum(d0 * d0, axis=0, keepdims=True) * (1.0 / N_NODES)
        inv = lax.rsqrt(var + BN_EPS)
        o_ref[...] = g_ref[...] * d0 * inv + bt_ref[...]

    return pl.pallas_call(
        body,
        out_shape=jax.ShapeDtypeStruct((N_NODES, D), jnp.float32),
    )(x, partials, W1, b1, W2, b2, gamma, beta)


@jax.jit
def kernel(x, edge_index, edge_attr, W1, b1, W2, b2, gamma, beta):
    src = edge_index[0].astype(jnp.int32)
    dst = edge_index[1].astype(jnp.int32)
    packed = (src | (dst << 16)).reshape(NW, EDGES_PER_TILE)
    packed3 = jnp.pad(packed, ((0, 0), (0, E_TILE_PAD - EDGES_PER_TILE)),
                      constant_values=N_NODES << 16).reshape(NW, NITER, CHUNK)
    partials = _sc_segment_sum(x, packed3)
    return _tc_mlp_bn(x, partials,
                      W1, b1.reshape(1, D), W2, b2.reshape(1, D),
                      gamma.reshape(1, D), beta.reshape(1, D))

# --- scband reference (transcript-rebuilt; emitter-appended) ---
"""Pipeline reference for scband-ginblock-309237645712 (READ-ONLY COPY).

The authoritative reference and input builder live on the scoring server;
editing this copy changes nothing except your own understanding.
"""

import jax, jax.numpy as jnp
import numpy as np

N_NODES = 10000
N_EDGES = 320000
D_IN = 128
D_HID = 128
BN_EPS = 1e-5
GIN_EPS = 0.0


def setup_inputs(seed: int = 0) -> dict:
    key = jax.random.key(seed)
    ks = jax.random.split(key, 10)
    x = jax.random.normal(ks[0], (N_NODES, D_IN), dtype=jnp.float32)
    edge_index = jax.random.randint(ks[1], (2, N_EDGES), 0, N_NODES, dtype=jnp.int64)
    edge_attr = jax.random.normal(ks[2], (N_EDGES, 16), dtype=jnp.float32)
    # MLP params for GINConv nn: Linear(indim, hiddendim) -> ReLU -> Linear(hiddendim, hiddendim)
    s1 = 1.0 / np.sqrt(D_IN)
    s2 = 1.0 / np.sqrt(D_HID)
    W1 = jax.random.uniform(ks[3], (D_IN, D_HID), minval=-s1, maxval=s1, dtype=jnp.float32)
    b1 = jax.random.uniform(ks[4], (D_HID,), minval=-s1, maxval=s1, dtype=jnp.float32)
    W2 = jax.random.uniform(ks[5], (D_HID, D_HID), minval=-s2, maxval=s2, dtype=jnp.float32)
    b2 = jax.random.uniform(ks[6], (D_HID,), minval=-s2, maxval=s2, dtype=jnp.float32)
    # BatchNorm1d affine params
    gamma = jnp.ones((D_HID,), dtype=jnp.float32)
    beta = jnp.zeros((D_HID,), dtype=jnp.float32)
    return {"x": x, "edge_index": edge_index, "edge_attr": edge_attr,
            "W1": W1, "b1": b1, "W2": W2, "b2": b2,
            "gamma": gamma, "beta": beta}


def reference(x, edge_index, edge_attr, W1, b1, W2, b2, gamma, beta):
    src = edge_index[0]
    dst = edge_index[1]
    # GINConv: aggregate neighbor features (sum) into destination nodes
    agg = jax.ops.segment_sum(jnp.take(x, src, axis=0), dst, num_segments=N_NODES)
    h = (1.0 + GIN_EPS) * x + agg
    # MLP: Linear -> ReLU -> Linear
    h = jnp.dot(h, W1) + b1
    h = jax.nn.relu(h)
    h = jnp.dot(h, W2) + b2
    # F.relu after conv
    h = jax.nn.relu(h)
    # BatchNorm1d (training mode: batch statistics, biased variance)
    mean = jnp.mean(h, axis=0)
    var = jnp.mean((h - mean) ** 2, axis=0)
    out = gamma * (h - mean) / jnp.sqrt(var + BN_EPS) + beta
    return out

if __name__ == "__main__":
    import jax
    _d = setup_inputs()
    print(jax.jit(kernel)(*tuple(_d.values())))

</pallas_src>

<mosaic_0001>
#map = affine_map<(d0, d1) -> (0, 0)>
#map1 = affine_map<(d0, d1) -> (0, 0, 0)>
module attributes {stable_mosaic.version = 14 : i64} {
  func.func @seg_sum(%arg0: i32, %arg1: i32, %arg2: memref<10000x128xf32, #tpu.memory_space<hbm>>, %arg3: memref<32x125x80xi32, #tpu.memory_space<hbm>>, %arg4: memref<2x10240x128xf32, #tpu.memory_space<hbm>>, %arg5: memref<3x80xi32, #tpu.memory_space<vmem>>, %arg6: memref<3x80xi32, #tpu.memory_space<vmem>>, %arg7: memref<3x80xi32, #tpu.memory_space<vmem>>, %arg8: memref<3x80x128xf32, #tpu.memory_space<vmem>>, %arg9: memref<10240x128xf32, #tpu.memory_space<vmem_shared>>, %arg10: memref<3x!tpu.dma_semaphore, #tpu.memory_space<semaphore_mem>>, %arg11: memref<3x!tpu.dma_semaphore, #tpu.memory_space<semaphore_mem>>, %arg12: memref<3x!tpu.dma_semaphore, #tpu.memory_space<semaphore_mem>>) attributes {dimension_semantics = [#tpu.dimension_semantics<core_parallel>, #tpu.dimension_semantics<subcore_parallel>], iteration_bounds = array<i64: 2, 16>, scalar_prefetch = 0 : i64, scratch_operands = 8 : i64, tpu.core_type = #tpu.core_type<sc_vector_subcore>, window_params = [{transform_indices = #map}, {transform_indices = #map1}, {transform_indices = #map1}]} {
    %mul3A = arith.constant 2 : i32
    %mul3A_0 = arith.muli %arg1, %mul3A : i32
    %add3A = arith.addi %mul3A_0, %arg0 : i32
    %broadcast_in_dim3A = arith.constant 0.000000e+00 : f32
    %broadcast_in_dim3A_1 = vector.broadcast %broadcast_in_dim3A : f32 to vector<16xf32>
    %scan3A = arith.constant 0 : i32
    %scan3A_2 = arith.constant 0 : i32
    %scan3A_3 = arith.constant 80 : i32
    %scan3A_4 = arith.addi %scan3A_2, %scan3A_3 : i32
    %scan3A_5 = arith.constant 1 : i32
    scf.for %scan3A_449 = %scan3A_2 to %scan3A_4 step %scan3A_5  : i32 {
      %swap3A_450 = arith.constant 0 : i32
      %swap3A_451 = arith.index_cast %swap3A_450 : i32 to index
      %swap3A_452 = arith.index_cast %scan3A_449 : i32 to index
      %swap3A_453 = arith.constant 0 : index
      %swap3A_454 = tpu.vector_load %arg8[%swap3A_451, %swap3A_452, %swap3A_453] {strides = array<i32>} : memref<3x80x128xf32, #tpu.memory_space<vmem>>, vector<1x1x16xf32>,
      %swap3A_455 = vector.shape_cast %swap3A_454 : vector<1x1x16xf32> to vector<16xf32>
      %swap3A_456 = vector.shape_cast %broadcast_in_dim3A_1 : vector<16xf32> to vector<1x1x16xf32>
      tpu.vector_store %arg8[%swap3A_451, %swap3A_452, %swap3A_453], %swap3A_456 {strides = array<i32>} : memref<3x80x128xf32, #tpu.memory_space<vmem>>, vector<1x1x16xf32>,
      %swap3A_457 = arith.constant 0 : i32
      %swap3A_458 = arith.index_cast %swap3A_457 : i32 to index
      %swap3A_459 = arith.index_cast %scan3A_449 : i32 to index
      %swap3A_460 = arith.constant 16 : index
      %swap3A_461 = tpu.vector_load %arg8[%swap3A_458, %swap3A_459, %swap3A_460] {strides = array<i32>} : memref<3x80x128xf32, #tpu.memory_space<vmem>>, vector<1x1x16xf32>,
      %swap3A_462 = vector.shape_cast %swap3A_461 : vector<1x1x16xf32> to vector<16xf32>
      %swap3A_463 = vector.shape_cast %broadcast_in_dim3A_1 : vector<16xf32> to vector<1x1x16xf32>
      tpu.vector_store %arg8[%swap3A_458, %swap3A_459, %swap3A_460], %swap3A_463 {strides = array<i32>} : memref<3x80x128xf32, #tpu.memory_space<vmem>>, vector<1x1x16xf32>,
      %swap3A_464 = arith.constant 0 : i32
      %swap3A_465 = arith.index_cast %swap3A_464 : i32 to index
      %swap3A_466 = arith.index_cast %scan3A_449 : i32 to index
      %swap3A_467 = arith.constant 32 : index
      %swap3A_468 = tpu.vector_load %arg8[%swap3A_465, %swap3A_466, %swap3A_467] {strides = array<i32>} : memref<3x80x128xf32, #tpu.memory_space<vmem>>, vector<1x1x16xf32>,
      %swap3A_469 = vector.shape_cast %swap3A_468 : vector<1x1x16xf32> to vector<16xf32>
      %swap3A_470 = vector.shape_cast %broadcast_in_dim3A_1 : vector<16xf32> to vector<1x1x16xf32>
      tpu.vector_store %arg8[%swap3A_465, %swap3A_466, %swap3A_467], %swap3A_470 {strides = array<i32>} : memref<3x80x128xf32, #tpu.memory_space<vmem>>, vector<1x1x16xf32>,
      %swap3A_471 = arith.constant 0 : i32
      %swap3A_472 = arith.index_cast %swap3A_471 : i32 to index
      %swap3A_473 = arith.index_cast %scan3A_449 : i32 to index
      %swap3A_474 = arith.constant 48 : index
      %swap3A_475 = tpu.vector_load %arg8[%swap3A_472, %swap3A_473, %swap3A_474] {strides = array<i32>} : memref<3x80x128xf32, #tpu.memory_space<vmem>>, vector<1x1x16xf32>,
      %swap3A_476 = vector.shape_cast %swap3A_475 : vector<1x1x16xf32> to vector<16xf32>
      %swap3A_477 = vector.shape_cast %broadcast_in_dim3A_1 : vector<16xf32> to vector<1x1x16xf32>
      tpu.vector_store %arg8[%swap3A_472, %swap3A_473, %swap3A_474], %swap3A_477 {strides = array<i32>} : memref<3x80x128xf32, #tpu.memory_space<vmem>>, vector<1x1x16xf32>,
      %swap3A_478 = arith.constant 0 : i32
      %swap3A_479 = arith.index_cast %swap3A_478 : i32 to index
      %swap3A_480 = arith.index_cast %scan3A_449 : i32 to index
      %swap3A_481 = arith.constant 64 : index
      %swap3A_482 = tpu.vector_load %arg8[%swap3A_479, %swap3A_480, %swap3A_481] {strides = array<i32>} : memref<3x80x128xf32, #tpu.memory_space<vmem>>, vector<1x1x16xf32>,
      %swap3A_483 = vector.shape_cast %swap3A_482 : vector<1x1x16xf32> to vector<16xf32>
      %swap3A_484 = vector.shape_cast %broadcast_in_dim3A_1 : vector<16xf32> to vector<1x1x16xf32>
      tpu.vector_store %arg8[%swap3A_479, %swap3A_480, %swap3A_481], %swap3A_484 {strides = array<i32>} : memref<3x80x128xf32, #tpu.memory_space<vmem>>, vector<1x1x16xf32>,
      %swap3A_485 = arith.constant 0 : i32
      %swap3A_486 = arith.index_cast %swap3A_485 : i32 to index
      %swap3A_487 = arith.index_cast %scan3A_449 : i32 to index
      %swap3A_488 = arith.constant 80 : index
      %swap3A_489 = tpu.vector_load %arg8[%swap3A_486, %swap3A_487, %swap3A_488] {strides = array<i32>} : memref<3x80x128xf32, #tpu.memory_space<vmem>>, vector<1x1x16xf32>,
      %swap3A_490 = vector.shape_cast %swap3A_489 : vector<1x1x16xf32> to vector<16xf32>
      %swap3A_491 = vector.shape_cast %broadcast_in_dim3A_1 : vector<16xf32> to vector<1x1x16xf32>
      tpu.vector_store %arg8[%swap3A_486, %swap3A_487, %swap3A_488], %swap3A_491 {strides = array<i32>} : memref<3x80x128xf32, #tpu.memory_space<vmem>>, vector<1x1x16xf32>,
      %swap3A_492 = arith.constant 0 : i32
      %swap3A_493 = arith.index_cast %swap3A_492 : i32 to index
      %swap3A_494 = arith.index_cast %scan3A_449 : i32 to index
      %swap3A_495 = arith.constant 96 : index
      %swap3A_496 = tpu.vector_load %arg8[%swap3A_493, %swap3A_494, %swap3A_495] {strides = array<i32>} : memref<3x80x128xf32, #tpu.memory_space<vmem>>, vector<1x1x16xf32>,
      %swap3A_497 = vector.shape_cast %swap3A_496 : vector<1x1x16xf32> to vector<16xf32>
      %swap3A_498 = vector.shape_cast %broadcast_in_dim3A_1 : vector<16xf32> to vector<1x1x16xf32>
      tpu.vector_store %arg8[%swap3A_493, %swap3A_494, %swap3A_495], %swap3A_498 {strides = array<i32>} : memref<3x80x128xf32, #tpu.memory_space<vmem>>, vector<1x1x16xf32>,
      %swap3A_499 = arith.constant 0 : i32
      %swap3A_500 = arith.index_cast %swap3A_499 : i32 to index
      %swap3A_501 = arith.index_cast %scan3A_449 : i32 to index
      %swap3A_502 = arith.constant 112 : index
      %swap3A_503 = tpu.vector_load %arg8[%swap3A_500, %swap3A_501, %swap3A_502] {strides = array<i32>} : memref<3x80x128xf32, #tpu.memory_space<vmem>>, vector<1x1x16xf32>,
      %swap3A_504 = vector.shape_cast %swap3A_503 : vector<1x1x16xf32> to vector<16xf32>
      %swap3A_505 = vector.shape_cast %broadcast_in_dim3A_1 : vector<16xf32> to vector<1x1x16xf32>
      tpu.vector_store %arg8[%swap3A_500, %swap3A_501, %swap3A_502], %swap3A_505 {strides = array<i32>} : memref<3x80x128xf32, #tpu.memory_space<vmem>>, vector<1x1x16xf32>,
    }
    %scan3A_6 = arith.constant 80 : i32
    %mul3A_7 = arith.constant 640 : i32
    %mul3A_8 = arith.muli %arg1, %mul3A_7 : i32
    %add3A_9 = arith.constant 0 : i32
    %add3A_10 = arith.addi %mul3A_8, %add3A_9 : i32
    %run_scoped3A = arith.constant 0 : i32
    "tpu.region"() ({
      %run_scoped3A_449 = tpu.sem_alloc : memref<!tpu.dma_semaphore, #tpu.memory_space<semaphore_mem>>
      %dma_start3A_450 = arith.constant 0 : i32
      %dma_start3A_451 = arith.constant 0 : i32
      %dma_start3A_452 = tpu.memref_slice %arg8[%run_scoped3A, %dma_start3A_450, %dma_start3A_451] : memref<3x80x128xf32, #tpu.memory_space<vmem>> -> memref<1x80x128xf32, #tpu.memory_space<vmem>>
      %dma_start3A_453 = tpu.memref_squeeze %dma_start3A_452 : memref<1x80x128xf32, #tpu.memory_space<vmem>> -> memref<80x128xf32, #tpu.memory_space<vmem>>
      %dma_start3A_454 = arith.constant 0 : i32
      %dma_start3A_455 = tpu.memref_slice %arg9[%add3A_10, %dma_start3A_454] : memref<10240x128xf32, #tpu.memory_space<vmem_shared>> -> memref<80x128xf32, #tpu.memory_space<vmem_shared>>
      %dma_start3A_456 = arith.constant 0 : i32
      %dma_start3A_457 = tpu.memref_slice %arg9[%add3A_10, %dma_start3A_456] : memref<10240x128xf32, #tpu.memory_space<vmem_shared>> -> memref<80x128xf32, #tpu.memory_space<vmem_shared>>
      %dma_start3A_458 = arith.constant 0 : i32
      %dma_start3A_459 = arith.constant 0 : i32
      %dma_start3A_460 = tpu.memref_slice %arg8[%run_scoped3A, %dma_start3A_458, %dma_start3A_459] : memref<3x80x128xf32, #tpu.memory_space<vmem>> -> memref<1x80x128xf32, #tpu.memory_space<vmem>>
      %dma_start3A_461 = tpu.memref_squeeze %dma_start3A_460 : memref<1x80x128xf32, #tpu.memory_space<vmem>> -> memref<80x128xf32, #tpu.memory_space<vmem>>
      tpu.enqueue_dma source(%dma_start3A_461 : memref<80x128xf32, #tpu.memory_space<vmem>>) target(%dma_start3A_457 : memref<80x128xf32, #tpu.memory_space<vmem_shared>>) target_semaphore(%run_scoped3A_449 : memref<!tpu.dma_semaphore, #tpu.memory_space<semaphore_mem>>)
      %dma_wait3A_462 = arith.constant 0 : i32
      %dma_wait3A_463 = arith.constant 0 : i32
      %dma_wait3A_464 = tpu.memref_slice %arg8[%run_scoped3A, %dma_wait3A_462, %dma_wait3A_463] : memref<3x80x128xf32, #tpu.memory_space<vmem>> -> memref<1x80x128xf32, #tpu.memory_space<vmem>>
      %dma_wait3A_465 = tpu.memref_squeeze %dma_wait3A_464 : memref<1x80x128xf32, #tpu.memory_space<vmem>> -> memref<80x128xf32, #tpu.memory_space<vmem>>
      %dma_wait3A_466 = arith.constant 0 : i32
      %dma_wait3A_467 = tpu.memref_slice %arg9[%add3A_10, %dma_wait3A_466] : memref<10240x128xf32, #tpu.memory_space<vmem_shared>> -> memref<80x128xf32, #tpu.memory_space<vmem_shared>>
      %dma_wait3A_468 = arith.constant 0 : i32
      %dma_wait3A_469 = tpu.memref_slice %arg9[%add3A_10, %dma_wait3A_468] : memref<10240x128xf32, #tpu.memory_space<vmem_shared>> -> memref<80x128xf32, #tpu.memory_space<vmem_shared>>
      %dma_wait3A_470 = arith.constant 0 : i32
      %dma_wait3A_471 = arith.constant 0 : i32
      %dma_wait3A_472 = tpu.memref_slice %arg8[%run_scoped3A, %dma_wait3A_470, %dma_wait3A_471] : memref<3x80x128xf32, #tpu.memory_space<vmem>> -> memref<1x80x128xf32, #tpu.memory_space<vmem>>
      %dma_wait3A_473 = tpu.memref_squeeze %dma_wait3A_472 : memref<1x80x128xf32, #tpu.memory_space<vmem>> -> memref<80x128xf32, #tpu.memory_space<vmem>>
      tpu.wait_dma2 semaphore(%run_scoped3A_449 : memref<!tpu.dma_semaphore, #tpu.memory_space<semaphore_mem>>) src(%dma_wait3A_473 : memref<80x128xf32, #tpu.memory_space<vmem>>) dst(%dma_wait3A_469 : memref<80x128xf32, #tpu.memory_space<vmem_shared>>)
      tpu.yield
    }) : () -> ()
    %mul3A_11 = arith.constant 640 : i32
    %mul3A_12 = arith.muli %arg1, %mul3A_11 : i32
    %add3A_13 = arith.constant 80 : i32
    %add3A_14 = arith.addi %mul3A_12, %add3A_13 : i32
    %run_scoped3A_15 = arith.constant 0 : i32
    "tpu.region"() ({
      %run_scoped3A_449 = tpu.sem_alloc : memref<!tpu.dma_semaphore, #tpu.memory_space<semaphore_mem>>
      %dma_start3A_450 = arith.constant 0 : i32
      %dma_start3A_451 = arith.constant 0 : i32
      %dma_start3A_452 = tpu.memref_slice %arg8[%run_scoped3A_15, %dma_start3A_450, %dma_start3A_451] : memref<3x80x128xf32, #tpu.memory_space<vmem>> -> memref<1x80x128xf32, #tpu.memory_space<vmem>>
      %dma_start3A_453 = tpu.memref_squeeze %dma_start3A_452 : memref<1x80x128xf32, #tpu.memory_space<vmem>> -> memref<80x128xf32, #tpu.memory_space<vmem>>
      %dma_start3A_454 = arith.constant 0 : i32
      %dma_start3A_455 = tpu.memref_slice %arg9[%add3A_14, %dma_start3A_454] : memref<10240x128xf32, #tpu.memory_space<vmem_shared>> -> memref<80x128xf32, #tpu.memory_space<vmem_shared>>
      %dma_start3A_456 = arith.constant 0 : i32
      %dma_start3A_457 = tpu.memref_slice %arg9[%add3A_14, %dma_start3A_456] : memref<10240x128xf32, #tpu.memory_space<vmem_shared>> -> memref<80x128xf32, #tpu.memory_space<vmem_shared>>
      %dma_start3A_458 = arith.constant 0 : i32
      %dma_start3A_459 = arith.constant 0 : i32
      %dma_start3A_460 = tpu.memref_slice %arg8[%run_scoped3A_15, %dma_start3A_458, %dma_start3A_459] : memref<3x80x128xf32, #tpu.memory_space<vmem>> -> memref<1x80x128xf32, #tpu.memory_space<vmem>>
      %dma_start3A_461 = tpu.memref_squeeze %dma_start3A_460 : memref<1x80x128xf32, #tpu.memory_space<vmem>> -> memref<80x128xf32, #tpu.memory_space<vmem>>
      tpu.enqueue_dma source(%dma_start3A_461 : memref<80x128xf32, #tpu.memory_space<vmem>>) target(%dma_start3A_457 : memref<80x128xf32, #tpu.memory_space<vmem_shared>>) target_semaphore(%run_scoped3A_449 : memref<!tpu.dma_semaphore, #tpu.memory_space<semaphore_mem>>)
      %dma_wait3A_462 = arith.constant 0 : i32
      %dma_wait3A_463 = arith.constant 0 : i32
      %dma_wait3A_464 = tpu.memref_slice %arg8[%run_scoped3A_15, %dma_wait3A_462, %dma_wait3A_463] : memref<3x80x128xf32, #tpu.memory_space<vmem>> -> memref<1x80x128xf32, #tpu.memory_space<vmem>>
      %dma_wait3A_465 = tpu.memref_squeeze %dma_wait3A_464 : memref<1x80x128xf32, #tpu.memory_space<vmem>> -> memref<80x128xf32, #tpu.memory_space<vmem>>
      %dma_wait3A_466 = arith.constant 0 : i32
      %dma_wait3A_467 = tpu.memref_slice %arg9[%add3A_14, %dma_wait3A_466] : memref<10240x128xf32, #tpu.memory_space<vmem_shared>> -> memref<80x128xf32, #tpu.memory_space<vmem_shared>>
      %dma_wait3A_468 = arith.constant 0 : i32
      %dma_wait3A_469 = tpu.memref_slice %arg9[%add3A_14, %dma_wait3A_468] : memref<10240x128xf32, #tpu.memory_space<vmem_shared>> -> memref<80x128xf32, #tpu.memory_space<vmem_shared>>
      %dma_wait3A_470 = arith.constant 0 : i32
      %dma_wait3A_471 = arith.constant 0 : i32
      %dma_wait3A_472 = tpu.memref_slice %arg8[%run_scoped3A_15, %dma_wait3A_470, %dma_wait3A_471] : memref<3x80x128xf32, #tpu.memory_space<vmem>> -> memref<1x80x128xf32, #tpu.memory_space<vmem>>
      %dma_wait3A_473 = tpu.memref_squeeze %dma_wait3A_472 : memref<1x80x128xf32, #tpu.memory_space<vmem>> -> memref<80x128xf32, #tpu.memory_space<vmem>>
      tpu.wait_dma2 semaphore(%run_scoped3A_449 : memref<!tpu.dma_semaphore, #tpu.memory_space<semaphore_mem>>) src(%dma_wait3A_473 : memref<80x128xf32, #tpu.memory_space<vmem>>) dst(%dma_wait3A_469 : memref<80x128xf32, #tpu.memory_space<vmem_shared>>)
      tpu.yield
    }) : () -> ()
    %mul3A_16 = arith.constant 640 : i32
    %mul3A_17 = arith.muli %arg1, %mul3A_16 : i32
    %add3A_18 = arith.constant 160 : i32
    %add3A_19 = arith.addi %mul3A_17, %add3A_18 : i32
    %run_scoped3A_20 = arith.constant 0 : i32
    "tpu.region"() ({
      %run_scoped3A_449 = tpu.sem_alloc : memref<!tpu.dma_semaphore, #tpu.memory_space<semaphore_mem>>
      %dma_start3A_450 = arith.constant 0 : i32
      %dma_start3A_451 = arith.constant 0 : i32
      %dma_start3A_452 = tpu.memref_slice %arg8[%run_scoped3A_20, %dma_start3A_450, %dma_start3A_451] : memref<3x80x128xf32, #tpu.memory_space<vmem>> -> memref<1x80x128xf32, #tpu.memory_space<vmem>>
      %dma_start3A_453 = tpu.memref_squeeze %dma_start3A_452 : memref<1x80x128xf32, #tpu.memory_space<vmem>> -> memref<80x128xf32, #tpu.memory_space<vmem>>
      %dma_start3A_454 = arith.constant 0 : i32
      %dma_start3A_455 = tpu.memref_slice %arg9[%add3A_19, %dma_start3A_454] : memref<10240x128xf32, #tpu.memory_space<vmem_shared>> -> memref<80x128xf32, #tpu.memory_space<vmem_shared>>
      %dma_start3A_456 = arith.constant 0 : i32
      %dma_start3A_457 = tpu.memref_slice %arg9[%add3A_19, %dma_start3A_456] : memref<10240x128xf32, #tpu.memory_space<vmem_shared>> -> memref<80x128xf32, #tpu.memory_space<vmem_shared>>
      %dma_start3A_458 = arith.constant 0 : i32
      %dma_start3A_459 = arith.constant 0 : i32
      %dma_start3A_460 = tpu.memref_slice %arg8[%run_scoped3A_20, %dma_start3A_458, %dma_start3A_459] : memref<3x80x128xf32, #tpu.memory_space<vmem>> -> memref<1x80x128xf32, #tpu.memory_space<vmem>>
      %dma_start3A_461 = tpu.memref_squeeze %dma_start3A_460 : memref<1x80x128xf32, #tpu.memory_space<vmem>> -> memref<80x128xf32, #tpu.memory_space<vmem>>
      tpu.enqueue_dma source(%dma_start3A_461 : memref<80x128xf32, #tpu.memory_space<vmem>>) target(%dma_start3A_457 : memref<80x128xf32, #tpu.memory_space<vmem_shared>>) target_semaphore(%run_scoped3A_449 : memref<!tpu.dma_semaphore, #tpu.memory_space<semaphore_mem>>)
      %dma_wait3A_462 = arith.constant 0 : i32
      %dma_wait3A_463 = arith.constant 0 : i32
      %dma_wait3A_464 = tpu.memref_slice %arg8[%run_scoped3A_20, %dma_wait3A_462, %dma_wait3A_463] : memref<3x80x128xf32, #tpu.memory_space<vmem>> -> memref<1x80x128xf32, #tpu.memory_space<vmem>>
      %dma_wait3A_465 = tpu.memref_squeeze %dma_wait3A_464 : memref<1x80x128xf32, #tpu.memory_space<vmem>> -> memref<80x128xf32, #tpu.memory_space<vmem>>
      %dma_wait3A_466 = arith.constant 0 : i32
      %dma_wait3A_467 = tpu.memref_slice %arg9[%add3A_19, %dma_wait3A_466] : memref<10240x128xf32, #tpu.memory_space<vmem_shared>> -> memref<80x128xf32, #tpu.memory_space<vmem_shared>>
      %dma_wait3A_468 = arith.constant 0 : i32
      %dma_wait3A_469 = tpu.memref_slice %arg9[%add3A_19, %dma_wait3A_468] : memref<10240x128xf32, #tpu.memory_space<vmem_shared>> -> memref<80x128xf32, #tpu.memory_space<vmem_shared>>
      %dma_wait3A_470 = arith.constant 0 : i32
      %dma_wait3A_471 = arith.constant 0 : i32
      %dma_wait3A_472 = tpu.memref_slice %arg8[%run_scoped3A_20, %dma_wait3A_470, %dma_wait3A_471] : memref<3x80x128xf32, #tpu.memory_space<vmem>> -> memref<1x80x128xf32, #tpu.memory_space<vmem>>
      %dma_wait3A_473 = tpu.memref_squeeze %dma_wait3A_472 : memref<1x80x128xf32, #tpu.memory_space<vmem>> -> memref<80x128xf32, #tpu.memory_space<vmem>>
      tpu.wait_dma2 semaphore(%run_scoped3A_449 : memref<!tpu.dma_semaphore, #tpu.memory_space<semaphore_mem>>) src(%dma_wait3A_473 : memref<80x128xf32, #tpu.memory_space<vmem>>) dst(%dma_wait3A_469 : memref<80x128xf32, #tpu.memory_space<vmem_shared>>)
      tpu.yield
    }) : () -> ()
    %mul3A_21 = arith.constant 640 : i32
    %mul3A_22 = arith.muli %arg1, %mul3A_21 : i32
    %add3A_23 = arith.constant 240 : i32
    %add3A_24 = arith.addi %mul3A_22, %add3A_23 : i32
    %run_scoped3A_25 = arith.constant 0 : i32
    "tpu.region"() ({
      %run_scoped3A_449 = tpu.sem_alloc : memref<!tpu.dma_semaphore, #tpu.memory_space<semaphore_mem>>
      %dma_start3A_450 = arith.constant 0 : i32
      %dma_start3A_451 = arith.constant 0 : i32
      %dma_start3A_452 = tpu.memref_slice %arg8[%run_scoped3A_25, %dma_start3A_450, %dma_start3A_451] : memref<3x80x128xf32, #tpu.memory_space<vmem>> -> memref<1x80x128xf32, #tpu.memory_space<vmem>>
      %dma_start3A_453 = tpu.memref_squeeze %dma_start3A_452 : memref<1x80x128xf32, #tpu.memory_space<vmem>> -> memref<80x128xf32, #tpu.memory_space<vmem>>
      %dma_start3A_454 = arith.constant 0 : i32
      %dma_start3A_455 = tpu.memref_slice %arg9[%add3A_24, %dma_start3A_454] : memref<10240x128xf32, #tpu.memory_space<vmem_shared>> -> memref<80x128xf32, #tpu.memory_space<vmem_shared>>
      %dma_start3A_456 = arith.constant 0 : i32
      %dma_start3A_457 = tpu.memref_slice %arg9[%add3A_24, %dma_start3A_456] : memref<10240x128xf32, #tpu.memory_space<vmem_shared>> -> memref<80x128xf32, #tpu.memory_space<vmem_shared>>
      %dma_start3A_458 = arith.constant 0 : i32
      %dma_start3A_459 = arith.constant 0 : i32
      %dma_start3A_460 = tpu.memref_slice %arg8[%run_scoped3A_25, %dma_start3A_458, %dma_start3A_459] : memref<3x80x128xf32, #tpu.memory_space<vmem>> -> memref<1x80x128xf32, #tpu.memory_space<vmem>>
      %dma_start3A_461 = tpu.memref_squeeze %dma_start3A_460 : memref<1x80x128xf32, #tpu.memory_space<vmem>> -> memref<80x128xf32, #tpu.memory_space<vmem>>
      tpu.enqueue_dma source(%dma_start3A_461 : memref<80x128xf32, #tpu.memory_space<vmem>>) target(%dma_start3A_457 : memref<80x128xf32, #tpu.memory_space<vmem_shared>>) target_semaphore(%run_scoped3A_449 : memref<!tpu.dma_semaphore, #tpu.memory_space<semaphore_mem>>)
      %dma_wait3A_462 = arith.constant 0 : i32
      %dma_wait3A_463 = arith.constant 0 : i32
      %dma_wait3A_464 = tpu.memref_slice %arg8[%run_scoped3A_25, %dma_wait3A_462, %dma_wait3A_463] : memref<3x80x128xf32, #tpu.memory_space<vmem>> -> memref<1x80x128xf32, #tpu.memory_space<vmem>>
      %dma_wait3A_465 = tpu.memref_squeeze %dma_wait3A_464 : memref<1x80x128xf32, #tpu.memory_space<vmem>> -> memref<80x128xf32, #tpu.memory_space<vmem>>
      %dma_wait3A_466 = arith.constant 0 : i32
      %dma_wait3A_467 = tpu.memref_slice %arg9[%add3A_24, %dma_wait3A_466] : memref<10240x128xf32, #tpu.memory_space<vmem_shared>> -> memref<80x128xf32, #tpu.memory_space<vmem_shared>>
      %dma_wait3A_468 = arith.constant 0 : i32
      %dma_wait3A_469 = tpu.memref_slice %arg9[%add3A_24, %dma_wait3A_468] : memref<10240x128xf32, #tpu.memory_space<vmem_shared>> -> memref<80x128xf32, #tpu.memory_space<vmem_shared>>
      %dma_wait3A_470 = arith.constant 0 : i32
      %dma_wait3A_471 = arith.constant 0 : i32
      %dma_wait3A_472 = tpu.memref_slice %arg8[%run_scoped3A_25, %dma_wait3A_470, %dma_wait3A_471] : memref<3x80x128xf32, #tpu.memory_space<vmem>> -> memref<1x80x128xf32, #tpu.memory_space<vmem>>
      %dma_wait3A_473 = tpu.memref_squeeze %dma_wait3A_472 : memref<1x80x128xf32, #tpu.memory_space<vmem>> -> memref<80x128xf32, #tpu.memory_space<vmem>>
      tpu.wait_dma2 semaphore(%run_scoped3A_449 : memref<!tpu.dma_semaphore, #tpu.memory_space<semaphore_mem>>) src(%dma_wait3A_473 : memref<80x128xf32, #tpu.memory_space<vmem>>) dst(%dma_wait3A_469 : memref<80x128xf32, #tpu.memory_space<vmem_shared>>)
      tpu.yield
    }) : () -> ()
    %mul3A_26 = arith.constant 640 : i32
    %mul3A_27 = arith.muli %arg1, %mul3A_26 : i32
    %add3A_28 = arith.constant 320 : i32
    %add3A_29 = arith.addi %mul3A_27, %add3A_28 : i32
    %run_scoped3A_30 = arith.constant 0 : i32
    "tpu.region"() ({
      %run_scoped3A_449 = tpu.sem_alloc : memref<!tpu.dma_semaphore, #tpu.memory_space<semaphore_mem>>
      %dma_start3A_450 = arith.constant 0 : i32
      %dma_start3A_451 = arith.constant 0 : i32
      %dma_start3A_452 = tpu.memref_slice %arg8[%run_scoped3A_30, %dma_start3A_450, %dma_start3A_451] : memref<3x80x128xf32, #tpu.memory_space<vmem>> -> memref<1x80x128xf32, #tpu.memory_space<vmem>>
      %dma_start3A_453 = tpu.memref_squeeze %dma_start3A_452 : memref<1x80x128xf32, #tpu.memory_space<vmem>> -> memref<80x128xf32, #tpu.memory_space<vmem>>
      %dma_start3A_454 = arith.constant 0 : i32
      %dma_start3A_455 = tpu.memref_slice %arg9[%add3A_29, %dma_start3A_454] : memref<10240x128xf32, #tpu.memory_space<vmem_shared>> -> memref<80x128xf32, #tpu.memory_space<vmem_shared>>
      %dma_start3A_456 = arith.constant 0 : i32
      %dma_start3A_457 = tpu.memref_slice %arg9[%add3A_29, %dma_start3A_456] : memref<10240x128xf32, #tpu.memory_space<vmem_shared>> -> memref<80x128xf32, #tpu.memory_space<vmem_shared>>
      %dma_start3A_458 = arith.constant 0 : i32
      %dma_start3A_459 = arith.constant 0 : i32
      %dma_start3A_460 = tpu.memref_slice %arg8[%run_scoped3A_30, %dma_start3A_458, %dma_start3A_459] : memref<3x80x128xf32, #tpu.memory_space<vmem>> -> memref<1x80x128xf32, #tpu.memory_space<vmem>>
      %dma_start3A_461 = tpu.memref_squeeze %dma_start3A_460 : memref<1x80x128xf32, #tpu.memory_space<vmem>> -> memref<80x128xf32, #tpu.memory_space<vmem>>
      tpu.enqueue_dma source(%dma_start3A_461 : memref<80x128xf32, #tpu.memory_space<vmem>>) target(%dma_start3A_457 : memref<80x128xf32, #tpu.memory_space<vmem_shared>>) target_semaphore(%run_scoped3A_449 : memref<!tpu.dma_semaphore, #tpu.memory_space<semaphore_mem>>)
      %dma_wait3A_462 = arith.constant 0 : i32
      %dma_wait3A_463 = arith.constant 0 : i32
      %dma_wait3A_464 = tpu.memref_slice %arg8[%run_scoped3A_30, %dma_wait3A_462, %dma_wait3A_463] : memref<3x80x128xf32, #tpu.memory_space<vmem>> -> memref<1x80x128xf32, #tpu.memory_space<vmem>>
      %dma_wait3A_465 = tpu.memref_squeeze %dma_wait3A_464 : memref<1x80x128xf32, #tpu.memory_space<vmem>> -> memref<80x128xf32, #tpu.memory_space<vmem>>
      %dma_wait3A_466 = arith.constant 0 : i32
      %dma_wait3A_467 = tpu.memref_slice %arg9[%add3A_29, %dma_wait3A_466] : memref<10240x128xf32, #tpu.memory_space<vmem_shared>> -> memref<80x128xf32, #tpu.memory_space<vmem_shared>>
      %dma_wait3A_468 = arith.constant 0 : i32
      %dma_wait3A_469 = tpu.memref_slice %arg9[%add3A_29, %dma_wait3A_468] : memref<10240x128xf32, #tpu.memory_space<vmem_shared>> -> memref<80x128xf32, #tpu.memory_space<vmem_shared>>
      %dma_wait3A_470 = arith.constant 0 : i32
      %dma_wait3A_471 = arith.constant 0 : i32
      %dma_wait3A_472 = tpu.memref_slice %arg8[%run_scoped3A_30, %dma_wait3A_470, %dma_wait3A_471] : memref<3x80x128xf32, #tpu.memory_space<vmem>> -> memref<1x80x128xf32, #tpu.memory_space<vmem>>
      %dma_wait3A_473 = tpu.memref_squeeze %dma_wait3A_472 : memref<1x80x128xf32, #tpu.memory_space<vmem>> -> memref<80x128xf32, #tpu.memory_space<vmem>>
      tpu.wait_dma2 semaphore(%run_scoped3A_449 : memref<!tpu.dma_semaphore, #tpu.memory_space<semaphore_mem>>) src(%dma_wait3A_473 : memref<80x128xf32, #tpu.memory_space<vmem>>) dst(%dma_wait3A_469 : memref<80x128xf32, #tpu.memory_space<vmem_shared>>)
      tpu.yield
    }) : () -> ()
    %mul3A_31 = arith.constant 640 : i32
    %mul3A_32 = arith.muli %arg1, %mul3A_31 : i32
    %add3A_33 = arith.constant 400 : i32
    %add3A_34 = arith.addi %mul3A_32, %add3A_33 : i32
    %run_scoped3A_35 = arith.constant 0 : i32
    "tpu.region"() ({
      %run_scoped3A_449 = tpu.sem_alloc : memref<!tpu.dma_semaphore, #tpu.memory_space<semaphore_mem>>
      %dma_start3A_450 = arith.constant 0 : i32
      %dma_start3A_451 = arith.constant 0 : i32
      %dma_start3A_452 = tpu.memref_slice %arg8[%run_scoped3A_35, %dma_start3A_450, %dma_start3A_451] : memref<3x80x128xf32, #tpu.memory_space<vmem>> -> memref<1x80x128xf32, #tpu.memory_space<vmem>>
      %dma_start3A_453 = tpu.memref_squeeze %dma_start3A_452 : memref<1x80x128xf32, #tpu.memory_space<vmem>> -> memref<80x128xf32, #tpu.memory_space<vmem>>
      %dma_start3A_454 = arith.constant 0 : i32
      %dma_start3A_455 = tpu.memref_slice %arg9[%add3A_34, %dma_start3A_454] : memref<10240x128xf32, #tpu.memory_space<vmem_shared>> -> memref<80x128xf32, #tpu.memory_space<vmem_shared>>
      %dma_start3A_456 = arith.constant 0 : i32
      %dma_start3A_457 = tpu.memref_slice %arg9[%add3A_34, %dma_start3A_456] : memref<10240x128xf32, #tpu.memory_space<vmem_shared>> -> memref<80x128xf32, #tpu.memory_space<vmem_shared>>
      %dma_start3A_458 = arith.constant 0 : i32
      %dma_start3A_459 = arith.constant 0 : i32
      %dma_start3A_460 = tpu.memref_slice %arg8[%run_scoped3A_35, %dma_start3A_458, %dma_start3A_459] : memref<3x80x128xf32, #tpu.memory_space<vmem>> -> memref<1x80x128xf32, #tpu.memory_space<vmem>>
      %dma_start3A_461 = tpu.memref_squeeze %dma_start3A_460 : memref<1x80x128xf32, #tpu.memory_space<vmem>> -> memref<80x128xf32, #tpu.memory_space<vmem>>
      tpu.enqueue_dma source(%dma_start3A_461 : memref<80x128xf32, #tpu.memory_space<vmem>>) target(%dma_start3A_457 : memref<80x128xf32, #tpu.memory_space<vmem_shared>>) target_semaphore(%run_scoped3A_449 : memref<!tpu.dma_semaphore, #tpu.memory_space<semaphore_mem>>)
      %dma_wait3A_462 = arith.constant 0 : i32
      %dma_wait3A_463 = arith.constant 0 : i32
      %dma_wait3A_464 = tpu.memref_slice %arg8[%run_scoped3A_35, %dma_wait3A_462, %dma_wait3A_463] : memref<3x80x128xf32, #tpu.memory_space<vmem>> -> memref<1x80x128xf32, #tpu.memory_space<vmem>>
      %dma_wait3A_465 = tpu.memref_squeeze %dma_wait3A_464 : memref<1x80x128xf32, #tpu.memory_space<vmem>> -> memref<80x128xf32, #tpu.memory_space<vmem>>
      %dma_wait3A_466 = arith.constant 0 : i32
      %dma_wait3A_467 = tpu.memref_slice %arg9[%add3A_34, %dma_wait3A_466] : memref<10240x128xf32, #tpu.memory_space<vmem_shared>> -> memref<80x128xf32, #tpu.memory_space<vmem_shared>>
      %dma_wait3A_468 = arith.constant 0 : i32
      %dma_wait3A_469 = tpu.memref_slice %arg9[%add3A_34, %dma_wait3A_468] : memref<10240x128xf32, #tpu.memory_space<vmem_shared>> -> memref<80x128xf32, #tpu.memory_space<vmem_shared>>
      %dma_wait3A_470 = arith.constant 0 : i32
      %dma_wait3A_471 = arith.constant 0 : i32
      %dma_wait3A_472 = tpu.memref_slice %arg8[%run_scoped3A_35, %dma_wait3A_470, %dma_wait3A_471] : memref<3x80x128xf32, #tpu.memory_space<vmem>> -> memref<1x80x128xf32, #tpu.memory_space<vmem>>
      %dma_wait3A_473 = tpu.memref_squeeze %dma_wait3A_472 : memref<1x80x128xf32, #tpu.memory_space<vmem>> -> memref<80x128xf32, #tpu.memory_space<vmem>>
      tpu.wait_dma2 semaphore(%run_scoped3A_449 : memref<!tpu.dma_semaphore, #tpu.memory_space<semaphore_mem>>) src(%dma_wait3A_473 : memref<80x128xf32, #tpu.memory_space<vmem>>) dst(%dma_wait3A_469 : memref<80x128xf32, #tpu.memory_space<vmem_shared>>)
      tpu.yield
    }) : () -> ()
    %mul3A_36 = arith.constant 640 : i32
    %mul3A_37 = arith.muli %arg1, %mul3A_36 : i32
    %add3A_38 = arith.constant 480 : i32
    %add3A_39 = arith.addi %mul3A_37, %add3A_38 : i32
    %run_scoped3A_40 = arith.constant 0 : i32
    "tpu.region"() ({
      %run_scoped3A_449 = tpu.sem_alloc : memref<!tpu.dma_semaphore, #tpu.memory_space<semaphore_mem>>
      %dma_start3A_450 = arith.constant 0 : i32
      %dma_start3A_451 = arith.constant 0 : i32
      %dma_start3A_452 = tpu.memref_slice %arg8[%run_scoped3A_40, %dma_start3A_450, %dma_start3A_451] : memref<3x80x128xf32, #tpu.memory_space<vmem>> -> memref<1x80x128xf32, #tpu.memory_space<vmem>>
      %dma_start3A_453 = tpu.memref_squeeze %dma_start3A_452 : memref<1x80x128xf32, #tpu.memory_space<vmem>> -> memref<80x128xf32, #tpu.memory_space<vmem>>
      %dma_start3A_454 = arith.constant 0 : i32
      %dma_start3A_455 = tpu.memref_slice %arg9[%add3A_39, %dma_start3A_454] : memref<10240x128xf32, #tpu.memory_space<vmem_shared>> -> memref<80x128xf32, #tpu.memory_space<vmem_shared>>
      %dma_start3A_456 = arith.constant 0 : i32
      %dma_start3A_457 = tpu.memref_slice %arg9[%add3A_39, %dma_start3A_456] : memref<10240x128xf32, #tpu.memory_space<vmem_shared>> -> memref<80x128xf32, #tpu.memory_space<vmem_shared>>
      %dma_start3A_458 = arith.constant 0 : i32
      %dma_start3A_459 = arith.constant 0 : i32
      %dma_start3A_460 = tpu.memref_slice %arg8[%run_scoped3A_40, %dma_start3A_458, %dma_start3A_459] : memref<3x80x128xf32, #tpu.memory_space<vmem>> -> memref<1x80x128xf32, #tpu.memory_space<vmem>>
      %dma_start3A_461 = tpu.memref_squeeze %dma_start3A_460 : memref<1x80x128xf32, #tpu.memory_space<vmem>> -> memref<80x128xf32, #tpu.memory_space<vmem>>
      tpu.enqueue_dma source(%dma_start3A_461 : memref<80x128xf32, #tpu.memory_space<vmem>>) target(%dma_start3A_457 : memref<80x128xf32, #tpu.memory_space<vmem_shared>>) target_semaphore(%run_scoped3A_449 : memref<!tpu.dma_semaphore, #tpu.memory_space<semaphore_mem>>)
      %dma_wait3A_462 = arith.constant 0 : i32
      %dma_wait3A_463 = arith.constant 0 : i32
      %dma_wait3A_464 = tpu.memref_slice %arg8[%run_scoped3A_40, %dma_wait3A_462, %dma_wait3A_463] : memref<3x80x128xf32, #tpu.memory_space<vmem>> -> memref<1x80x128xf32, #tpu.memory_space<vmem>>
      %dma_wait3A_465 = tpu.memref_squeeze %dma_wait3A_464 : memref<1x80x128xf32, #tpu.memory_space<vmem>> -> memref<80x128xf32, #tpu.memory_space<vmem>>
      %dma_wait3A_466 = arith.constant 0 : i32
      %dma_wait3A_467 = tpu.memref_slice %arg9[%add3A_39, %dma_wait3A_466] : memref<10240x128xf32, #tpu.memory_space<vmem_shared>> -> memref<80x128xf32, #tpu.memory_space<vmem_shared>>
      %dma_wait3A_468 = arith.constant 0 : i32
      %dma_wait3A_469 = tpu.memref_slice %arg9[%add3A_39, %dma_wait3A_468] : memref<10240x128xf32, #tpu.memory_space<vmem_shared>> -> memref<80x128xf32, #tpu.memory_space<vmem_shared>>
      %dma_wait3A_470 = arith.constant 0 : i32
      %dma_wait3A_471 = arith.constant 0 : i32
      %dma_wait3A_472 = tpu.memref_slice %arg8[%run_scoped3A_40, %dma_wait3A_470, %dma_wait3A_471] : memref<3x80x128xf32, #tpu.memory_space<vmem>> -> memref<1x80x128xf32, #tpu.memory_space<vmem>>
      %dma_wait3A_473 = tpu.memref_squeeze %dma_wait3A_472 : memref<1x80x128xf32, #tpu.memory_space<vmem>> -> memref<80x128xf32, #tpu.memory_space<vmem>>
      tpu.wait_dma2 semaphore(%run_scoped3A_449 : memref<!tpu.dma_semaphore, #tpu.memory_space<semaphore_mem>>) src(%dma_wait3A_473 : memref<80x128xf32, #tpu.memory_space<vmem>>) dst(%dma_wait3A_469 : memref<80x128xf32, #tpu.memory_space<vmem_shared>>)
      tpu.yield
    }) : () -> ()
    %mul3A_41 = arith.constant 640 : i32
    %mul3A_42 = arith.muli %arg1, %mul3A_41 : i32
    %add3A_43 = arith.constant 560 : i32
    %add3A_44 = arith.addi %mul3A_42, %add3A_43 : i32
    %run_scoped3A_45 = arith.constant 0 : i32
    "tpu.region"() ({
      %run_scoped3A_449 = tpu.sem_alloc : memref<!tpu.dma_semaphore, #tpu.memory_space<semaphore_mem>>
      %dma_start3A_450 = arith.constant 0 : i32
      %dma_start3A_451 = arith.constant 0 : i32
      %dma_start3A_452 = tpu.memref_slice %arg8[%run_scoped3A_45, %dma_start3A_450, %dma_start3A_451] : memref<3x80x128xf32, #tpu.memory_space<vmem>> -> memref<1x80x128xf32, #tpu.memory_space<vmem>>
      %dma_start3A_453 = tpu.memref_squeeze %dma_start3A_452 : memref<1x80x128xf32, #tpu.memory_space<vmem>> -> memref<80x128xf32, #tpu.memory_space<vmem>>
      %dma_start3A_454 = arith.constant 0 : i32
      %dma_start3A_455 = tpu.memref_slice %arg9[%add3A_44, %dma_start3A_454] : memref<10240x128xf32, #tpu.memory_space<vmem_shared>> -> memref<80x128xf32, #tpu.memory_space<vmem_shared>>
      %dma_start3A_456 = arith.constant 0 : i32
      %dma_start3A_457 = tpu.memref_slice %arg9[%add3A_44, %dma_start3A_456] : memref<10240x128xf32, #tpu.memory_space<vmem_shared>> -> memref<80x128xf32, #tpu.memory_space<vmem_shared>>
      %dma_start3A_458 = arith.constant 0 : i32
      %dma_start3A_459 = arith.constant 0 : i32
      %dma_start3A_460 = tpu.memref_slice %arg8[%run_scoped3A_45, %dma_start3A_458, %dma_start3A_459] : memref<3x80x128xf32, #tpu.memory_space<vmem>> -> memref<1x80x128xf32, #tpu.memory_space<vmem>>
      %dma_start3A_461 = tpu.memref_squeeze %dma_start3A_460 : memref<1x80x128xf32, #tpu.memory_space<vmem>> -> memref<80x128xf32, #tpu.memory_space<vmem>>
      tpu.enqueue_dma source(%dma_start3A_461 : memref<80x128xf32, #tpu.memory_space<vmem>>) target(%dma_start3A_457 : memref<80x128xf32, #tpu.memory_space<vmem_shared>>) target_semaphore(%run_scoped3A_449 : memref<!tpu.dma_semaphore, #tpu.memory_space<semaphore_mem>>)
      %dma_wait3A_462 = arith.constant 0 : i32
      %dma_wait3A_463 = arith.constant 0 : i32
      %dma_wait3A_464 = tpu.memref_slice %arg8[%run_scoped3A_45, %dma_wait3A_462, %dma_wait3A_463] : memref<3x80x128xf32, #tpu.memory_space<vmem>> -> memref<1x80x128xf32, #tpu.memory_space<vmem>>
      %dma_wait3A_465 = tpu.memref_squeeze %dma_wait3A_464 : memref<1x80x128xf32, #tpu.memory_space<vmem>> -> memref<80x128xf32, #tpu.memory_space<vmem>>
      %dma_wait3A_466 = arith.constant 0 : i32
      %dma_wait3A_467 = tpu.memref_slice %arg9[%add3A_44, %dma_wait3A_466] : memref<10240x128xf32, #tpu.memory_space<vmem_shared>> -> memref<80x128xf32, #tpu.memory_space<vmem_shared>>
      %dma_wait3A_468 = arith.constant 0 : i32
      %dma_wait3A_469 = tpu.memref_slice %arg9[%add3A_44, %dma_wait3A_468] : memref<10240x128xf32, #tpu.memory_space<vmem_shared>> -> memref<80x128xf32, #tpu.memory_space<vmem_shared>>
      %dma_wait3A_470 = arith.constant 0 : i32
      %dma_wait3A_471 = arith.constant 0 : i32
      %dma_wait3A_472 = tpu.memref_slice %arg8[%run_scoped3A_45, %dma_wait3A_470, %dma_wait3A_471] : memref<3x80x128xf32, #tpu.memory_space<vmem>> -> memref<1x80x128xf32, #tpu.memory_space<vmem>>
      %dma_wait3A_473 = tpu.memref_squeeze %dma_wait3A_472 : memref<1x80x128xf32, #tpu.memory_space<vmem>> -> memref<80x128xf32, #tpu.memory_space<vmem>>
      tpu.wait_dma2 semaphore(%run_scoped3A_449 : memref<!tpu.dma_semaphore, #tpu.memory_space<semaphore_mem>>) src(%dma_wait3A_473 : memref<80x128xf32, #tpu.memory_space<vmem>>) dst(%dma_wait3A_469 : memref<80x128xf32, #tpu.memory_space<vmem_shared>>)
      tpu.yield
    }) : () -> ()
    %barrier3A = arith.constant 0 : index
    tpu.barrier barrier_id(%barrier3A)
    %dma_start3A = arith.constant 0 : i32
    %dma_start3A_46 = arith.constant 0 : i32
    %dma_start3A_47 = arith.constant 0 : i32
    %dma_start3A_48 = arith.constant 0 : i32
    %dma_start3A_49 = tpu.memref_slice %arg5[%dma_start3A_46, %dma_start3A_48] : memref<3x80xi32, #tpu.memory_space<vmem>> -> memref<1x80xi32, #tpu.memory_space<vmem>>
    %dma_start3A_50 = tpu.memref_squeeze %dma_start3A_49 : memref<1x80xi32, #tpu.memory_space<vmem>> -> memref<80xi32, #tpu.memory_space<vmem>>
    %dma_start3A_51 = arith.constant 0 : i32
    %dma_start3A_52 = arith.constant 0 : i32
    %dma_start3A_53 = tpu.memref_slice %arg3[%add3A, %dma_start3A_51, %dma_start3A_52] : memref<32x125x80xi32, #tpu.memory_space<hbm>> -> memref<1x125x80xi32, #tpu.memory_space<hbm>>
    %dma_start3A_54 = tpu.memref_squeeze %dma_start3A_53 : memref<1x125x80xi32, #tpu.memory_space<hbm>> -> memref<125x80xi32, #tpu.memory_space<hbm>>
    %dma_start3A_55 = arith.constant 0 : i32
    %dma_start3A_56 = tpu.memref_slice %dma_start3A_54[%dma_start3A, %dma_start3A_55] : memref<125x80xi32, #tpu.memory_space<hbm>> -> memref<1x80xi32, #tpu.memory_space<hbm>>
    %dma_start3A_57 = tpu.memref_squeeze %dma_start3A_56 : memref<1x80xi32, #tpu.memory_space<hbm>> -> memref<80xi32, #tpu.memory_space<hbm>>
    %dma_start3A_58 = tpu.memref_slice %arg12[%dma_start3A_47] : memref<3x!tpu.dma_semaphore, #tpu.memory_space<semaphore_mem>> -> memref<1x!tpu.dma_semaphore, #tpu.memory_space<semaphore_mem>>
    %dma_start3A_59 = tpu.memref_squeeze %dma_start3A_58 : memref<1x!tpu.dma_semaphore, #tpu.memory_space<semaphore_mem>> -> memref<!tpu.dma_semaphore, #tpu.memory_space<semaphore_mem>>
    %dma_start3A_60 = arith.constant 0 : i32
    %dma_start3A_61 = tpu.memref_slice %arg5[%dma_start3A_46, %dma_start3A_60] : memref<3x80xi32, #tpu.memory_space<vmem>> -> memref<1x80xi32, #tpu.memory_space<vmem>>
    %dma_start3A_62 = tpu.memref_squeeze %dma_start3A_61 : memref<1x80xi32, #tpu.memory_space<vmem>> -> memref<80xi32, #tpu.memory_space<vmem>>
    %dma_start3A_63 = arith.constant 0 : i32
    %dma_start3A_64 = arith.constant 0 : i32
    %dma_start3A_65 = tpu.memref_slice %arg3[%add3A, %dma_start3A_63, %dma_start3A_64] : memref<32x125x80xi32, #tpu.memory_space<hbm>> -> memref<1x125x80xi32, #tpu.memory_space<hbm>>
    %dma_start3A_66 = tpu.memref_squeeze %dma_start3A_65 : memref<1x125x80xi32, #tpu.memory_space<hbm>> -> memref<125x80xi32, #tpu.memory_space<hbm>>
    %dma_start3A_67 = arith.constant 0 : i32
    %dma_start3A_68 = tpu.memref_slice %dma_start3A_66[%dma_start3A, %dma_start3A_67] : memref<125x80xi32, #tpu.memory_space<hbm>> -> memref<1x80xi32, #tpu.memory_space<hbm>>
    %dma_start3A_69 = tpu.memref_squeeze %dma_start3A_68 : memref<1x80xi32, #tpu.memory_space<hbm>> -> memref<80xi32, #tpu.memory_space<hbm>>
    tpu.enqueue_dma source(%dma_start3A_69 : memref<80xi32, #tpu.memory_space<hbm>>) target(%dma_start3A_62 : memref<80xi32, #tpu.memory_space<vmem>>) target_semaphore(%dma_start3A_59 : memref<!tpu.dma_semaphore, #tpu.memory_space<semaphore_mem>>)
    %dma_wait3A = arith.constant 0 : i32
    %dma_wait3A_70 = arith.constant 0 : i32
    %dma_wait3A_71 = arith.constant 0 : i32
    %dma_wait3A_72 = arith.constant 0 : i32
    %dma_wait3A_73 = tpu.memref_slice %arg5[%dma_wait3A_70, %dma_wait3A_72] : memref<3x80xi32, #tpu.memory_space<vmem>> -> memref<1x80xi32, #tpu.memory_space<vmem>>
    %dma_wait3A_74 = tpu.memref_squeeze %dma_wait3A_73 : memref<1x80xi32, #tpu.memory_space<vmem>> -> memref<80xi32, #tpu.memory_space<vmem>>
    %dma_wait3A_75 = arith.constant 0 : i32
    %dma_wait3A_76 = arith.constant 0 : i32
    %dma_wait3A_77 = tpu.memref_slice %arg3[%add3A, %dma_wait3A_75, %dma_wait3A_76] : memref<32x125x80xi32, #tpu.memory_space<hbm>> -> memref<1x125x80xi32, #tpu.memory_space<hbm>>
    %dma_wait3A_78 = tpu.memref_squeeze %dma_wait3A_77 : memref<1x125x80xi32, #tpu.memory_space<hbm>> -> memref<125x80xi32, #tpu.memory_space<hbm>>
    %dma_wait3A_79 = arith.constant 0 : i32
    %dma_wait3A_80 = tpu.memref_slice %dma_wait3A_78[%dma_wait3A, %dma_wait3A_79] : memref<125x80xi32, #tpu.memory_space<hbm>> -> memref<1x80xi32, #tpu.memory_space<hbm>>
    %dma_wait3A_81 = tpu.memref_squeeze %dma_wait3A_80 : memref<1x80xi32, #tpu.memory_space<hbm>> -> memref<80xi32, #tpu.memory_space<hbm>>
    %dma_wait3A_82 = tpu.memref_slice %arg12[%dma_wait3A_71] : memref<3x!tpu.dma_semaphore, #tpu.memory_space<semaphore_mem>> -> memref<1x!tpu.dma_semaphore, #tpu.memory_space<semaphore_mem>>
    %dma_wait3A_83 = tpu.memref_squeeze %dma_wait3A_82 : memref<1x!tpu.dma_semaphore, #tpu.memory_space<semaphore_mem>> -> memref<!tpu.dma_semaphore, #tpu.memory_space<semaphore_mem>>
    %dma_wait3A_84 = arith.constant 0 : i32
    %dma_wait3A_85 = tpu.memref_slice %arg5[%dma_wait3A_70, %dma_wait3A_84] : memref<3x80xi32, #tpu.memory_space<vmem>> -> memref<1x80xi32, #tpu.memory_space<vmem>>
    %dma_wait3A_86 = tpu.memref_squeeze %dma_wait3A_85 : memref<1x80xi32, #tpu.memory_space<vmem>> -> memref<80xi32, #tpu.memory_space<vmem>>
    %dma_wait3A_87 = arith.constant 0 : i32
    %dma_wait3A_88 = arith.constant 0 : i32
    %dma_wait3A_89 = tpu.memref_slice %arg3[%add3A, %dma_wait3A_87, %dma_wait3A_88] : memref<32x125x80xi32, #tpu.memory_space<hbm>> -> memref<1x125x80xi32, #tpu.memory_space<hbm>>
    %dma_wait3A_90 = tpu.memref_squeeze %dma_wait3A_89 : memref<1x125x80xi32, #tpu.memory_space<hbm>> -> memref<125x80xi32, #tpu.memory_space<hbm>>
    %dma_wait3A_91 = arith.constant 0 : i32
    %dma_wait3A_92 = tpu.memref_slice %dma_wait3A_90[%dma_wait3A, %dma_wait3A_91] : memref<125x80xi32, #tpu.memory_space<hbm>> -> memref<1x80xi32, #tpu.memory_space<hbm>>
    %dma_wait3A_93 = tpu.memref_squeeze %dma_wait3A_92 : memref<1x80xi32, #tpu.memory_space<hbm>> -> memref<80xi32, #tpu.memory_space<hbm>>
    tpu.wait_dma2 semaphore(%dma_wait3A_83 : memref<!tpu.dma_semaphore, #tpu.memory_space<semaphore_mem>>) src(%dma_wait3A_93 : memref<80xi32, #tpu.memory_space<hbm>>) dst(%dma_wait3A_86 : memref<80xi32, #tpu.memory_space<vmem>>)
    %get3A = arith.constant 0 : i32
    %get3A_94 = arith.index_cast %get3A : i32 to index
    %get3A_95 = arith.constant 0 : index
    %get3A_96 = tpu.vector_load %arg5[%get3A_94, %get3A_95] {strides = array<i32>} : memref<3x80xi32, #tpu.memory_space<vmem>>, vector<1x16xi32>,
    %get3A_97 = vector.shape_cast %get3A_96 : vector<1x16xi32> to vector<16xi32>
    %and3A = arith.constant 65535 : i32
    %and3A_98 = vector.broadcast %and3A : i32 to vector<16xi32>
    %and3A_99 = arith.andi %get3A_97, %and3A_98 : vector<16xi32>
    %swap3A = arith.constant 0 : i32
    %swap3A_100 = arith.index_cast %swap3A : i32 to index
    %swap3A_101 = arith.constant 0 : index
    %swap3A_102 = tpu.vector_load %arg6[%swap3A_100, %swap3A_101] {strides = array<i32>} : memref<3x80xi32, #tpu.memory_space<vmem>>, vector<1x16xi32>,
    %swap3A_103 = vector.shape_cast %swap3A_102 : vector<1x16xi32> to vector<16xi32>
    %swap3A_104 = vector.shape_cast %and3A_99 : vector<16xi32> to vector<1x16xi32>
    tpu.vector_store %arg6[%swap3A_100, %swap3A_101], %swap3A_104 {strides = array<i32>} : memref<3x80xi32, #tpu.memory_space<vmem>>, vector<1x16xi32>,
    %shift_right_logical3A = arith.constant 16 : i32
    %shift_right_logical3A_105 = vector.broadcast %shift_right_logical3A : i32 to vector<16xi32>
    %shift_right_logical3A_106 = arith.shrui %get3A_97, %shift_right_logical3A_105 : vector<16xi32>
    %swap3A_107 = arith.constant 0 : i32
    %swap3A_108 = arith.index_cast %swap3A_107 : i32 to index
    %swap3A_109 = arith.constant 0 : index
    %swap3A_110 = tpu.vector_load %arg7[%swap3A_108, %swap3A_109] {strides = array<i32>} : memref<3x80xi32, #tpu.memory_space<vmem>>, vector<1x16xi32>,
    %swap3A_111 = vector.shape_cast %swap3A_110 : vector<1x16xi32> to vector<16xi32>
    %swap3A_112 = vector.shape_cast %shift_right_logical3A_106 : vector<16xi32> to vector<1x16xi32>
    tpu.vector_store %arg7[%swap3A_108, %swap3A_109], %swap3A_112 {strides = array<i32>} : memref<3x80xi32, #tpu.memory_space<vmem>>, vector<1x16xi32>,
    %get3A_113 = arith.constant 0 : i32
    %get3A_114 = arith.index_cast %get3A_113 : i32 to index
    %get3A_115 = arith.constant 16 : index
    %get3A_116 = tpu.vector_load %arg5[%get3A_114, %get3A_115] {strides = array<i32>} : memref<3x80xi32, #tpu.memory_space<vmem>>, vector<1x16xi32>,
    %get3A_117 = vector.shape_cast %get3A_116 : vector<1x16xi32> to vector<16xi32>
    %and3A_118 = arith.constant 65535 : i32
    %and3A_119 = vector.broadcast %and3A_118 : i32 to vector<16xi32>
    %and3A_120 = arith.andi %get3A_117, %and3A_119 : vector<16xi32>
    %swap3A_121 = arith.constant 0 : i32
    %swap3A_122 = arith.index_cast %swap3A_121 : i32 to index
    %swap3A_123 = arith.constant 16 : index
    %swap3A_124 = tpu.vector_load %arg6[%swap3A_122, %swap3A_123] {strides = array<i32>} : memref<3x80xi32, #tpu.memory_space<vmem>>, vector<1x16xi32>,
    %swap3A_125 = vector.shape_cast %swap3A_124 : vector<1x16xi32> to vector<16xi32>
    %swap3A_126 = vector.shape_cast %and3A_120 : vector<16xi32> to vector<1x16xi32>
    tpu.vector_store %arg6[%swap3A_122, %swap3A_123], %swap3A_126 {strides = array<i32>} : memref<3x80xi32, #tpu.memory_space<vmem>>, vector<1x16xi32>,
    %shift_right_logical3A_127 = arith.constant 16 : i32
    %shift_right_logical3A_128 = vector.broadcast %shift_right_logical3A_127 : i32 to vector<16xi32>
    %shift_right_logical3A_129 = arith.shrui %get3A_117, %shift_right_logical3A_128 : vector<16xi32>
    %swap3A_130 = arith.constant 0 : i32
    %swap3A_131 = arith.index_cast %swap3A_130 : i32 to index
    %swap3A_132 = arith.constant 16 : index
    %swap3A_133 = tpu.vector_load %arg7[%swap3A_131, %swap3A_132] {strides = array<i32>} : memref<3x80xi32, #tpu.memory_space<vmem>>, vector<1x16xi32>,
    %swap3A_134 = vector.shape_cast %swap3A_133 : vector<1x16xi32> to vector<16xi32>
    %swap3A_135 = vector.shape_cast %shift_right_logical3A_129 : vector<16xi32> to vector<1x16xi32>
    tpu.vector_store %arg7[%swap3A_131, %swap3A_132], %swap3A_135 {strides = array<i32>} : memref<3x80xi32, #tpu.memory_space<vmem>>, vector<1x16xi32>,
    %get3A_136 = arith.constant 0 : i32
    %get3A_137 = arith.index_cast %get3A_136 : i32 to index
    %get3A_138 = arith.constant 32 : index
    %get3A_139 = tpu.vector_load %arg5[%get3A_137, %get3A_138] {strides = array<i32>} : memref<3x80xi32, #tpu.memory_space<vmem>>, vector<1x16xi32>,
    %get3A_140 = vector.shape_cast %get3A_139 : vector<1x16xi32> to vector<16xi32>
    %and3A_141 = arith.constant 65535 : i32
    %and3A_142 = vector.broadcast %and3A_141 : i32 to vector<16xi32>
    %and3A_143 = arith.andi %get3A_140, %and3A_142 : vector<16xi32>
    %swap3A_144 = arith.constant 0 : i32
    %swap3A_145 = arith.index_cast %swap3A_144 : i32 to index
    %swap3A_146 = arith.constant 32 : index
    %swap3A_147 = tpu.vector_load %arg6[%swap3A_145, %swap3A_146] {strides = array<i32>} : memref<3x80xi32, #tpu.memory_space<vmem>>, vector<1x16xi32>,
    %swap3A_148 = vector.shape_cast %swap3A_147 : vector<1x16xi32> to vector<16xi32>
    %swap3A_149 = vector.shape_cast %and3A_143 : vector<16xi32> to vector<1x16xi32>
    tpu.vector_store %arg6[%swap3A_145, %swap3A_146], %swap3A_149 {strides = array<i32>} : memref<3x80xi32, #tpu.memory_space<vmem>>, vector<1x16xi32>,
    %shift_right_logical3A_150 = arith.constant 16 : i32
    %shift_right_logical3A_151 = vector.broadcast %shift_right_logical3A_150 : i32 to vector<16xi32>
    %shift_right_logical3A_152 = arith.shrui %get3A_140, %shift_right_logical3A_151 : vector<16xi32>
    %swap3A_153 = arith.constant 0 : i32
    %swap3A_154 = arith.index_cast %swap3A_153 : i32 to index
    %swap3A_155 = arith.constant 32 : index
    %swap3A_156 = tpu.vector_load %arg7[%swap3A_154, %swap3A_155] {strides = array<i32>} : memref<3x80xi32, #tpu.memory_space<vmem>>, vector<1x16xi32>,
    %swap3A_157 = vector.shape_cast %swap3A_156 : vector<1x16xi32> to vector<16xi32>
    %swap3A_158 = vector.shape_cast %shift_right_logical3A_152 : vector<16xi32> to vector<1x16xi32>
    tpu.vector_store %arg7[%swap3A_154, %swap3A_155], %swap3A_158 {strides = array<i32>} : memref<3x80xi32, #tpu.memory_space<vmem>>, vector<1x16xi32>,
    %get3A_159 = arith.constant 0 : i32
    %get3A_160 = arith.index_cast %get3A_159 : i32 to index
    %get3A_161 = arith.constant 48 : index
    %get3A_162 = tpu.vector_load %arg5[%get3A_160, %get3A_161] {strides = array<i32>} : memref<3x80xi32, #tpu.memory_space<vmem>>, vector<1x16xi32>,
    %get3A_163 = vector.shape_cast %get3A_162 : vector<1x16xi32> to vector<16xi32>
    %and3A_164 = arith.constant 65535 : i32
    %and3A_165 = vector.broadcast %and3A_164 : i32 to vector<16xi32>
    %and3A_166 = arith.andi %get3A_163, %and3A_165 : vector<16xi32>
    %swap3A_167 = arith.constant 0 : i32
    %swap3A_168 = arith.index_cast %swap3A_167 : i32 to index
    %swap3A_169 = arith.constant 48 : index
    %swap3A_170 = tpu.vector_load %arg6[%swap3A_168, %swap3A_169] {strides = array<i32>} : memref<3x80xi32, #tpu.memory_space<vmem>>, vector<1x16xi32>,
    %swap3A_171 = vector.shape_cast %swap3A_170 : vector<1x16xi32> to vector<16xi32>
    %swap3A_172 = vector.shape_cast %and3A_166 : vector<16xi32> to vector<1x16xi32>
    tpu.vector_store %arg6[%swap3A_168, %swap3A_169], %swap3A_172 {strides = array<i32>} : memref<3x80xi32, #tpu.memory_space<vmem>>, vector<1x16xi32>,
    %shift_right_logical3A_173 = arith.constant 16 : i32
    %shift_right_logical3A_174 = vector.broadcast %shift_right_logical3A_173 : i32 to vector<16xi32>
    %shift_right_logical3A_175 = arith.shrui %get3A_163, %shift_right_logical3A_174 : vector<16xi32>
    %swap3A_176 = arith.constant 0 : i32
    %swap3A_177 = arith.index_cast %swap3A_176 : i32 to index
    %swap3A_178 = arith.constant 48 : index
    %swap3A_179 = tpu.vector_load %arg7[%swap3A_177, %swap3A_178] {strides = array<i32>} : memref<3x80xi32, #tpu.memory_space<vmem>>, vector<1x16xi32>,
    %swap3A_180 = vector.shape_cast %swap3A_179 : vector<1x16xi32> to vector<16xi32>
    %swap3A_181 = vector.shape_cast %shift_right_logical3A_175 : vector<16xi32> to vector<1x16xi32>
    tpu.vector_store %arg7[%swap3A_177, %swap3A_178], %swap3A_181 {strides = array<i32>} : memref<3x80xi32, #tpu.memory_space<vmem>>, vector<1x16xi32>,
    %get3A_182 = arith.constant 0 : i32
    %get3A_183 = arith.index_cast %get3A_182 : i32 to index
    %get3A_184 = arith.constant 64 : index
    %get3A_185 = tpu.vector_load %arg5[%get3A_183, %get3A_184] {strides = array<i32>} : memref<3x80xi32, #tpu.memory_space<vmem>>, vector<1x16xi32>,
    %get3A_186 = vector.shape_cast %get3A_185 : vector<1x16xi32> to vector<16xi32>
    %and3A_187 = arith.constant 65535 : i32
    %and3A_188 = vector.broadcast %and3A_187 : i32 to vector<16xi32>
    %and3A_189 = arith.andi %get3A_186, %and3A_188 : vector<16xi32>
    %swap3A_190 = arith.constant 0 : i32
    %swap3A_191 = arith.index_cast %swap3A_190 : i32 to index
    %swap3A_192 = arith.constant 64 : index
    %swap3A_193 = tpu.vector_load %arg6[%swap3A_191, %swap3A_192] {strides = array<i32>} : memref<3x80xi32, #tpu.memory_space<vmem>>, vector<1x16xi32>,
    %swap3A_194 = vector.shape_cast %swap3A_193 : vector<1x16xi32> to vector<16xi32>
    %swap3A_195 = vector.shape_cast %and3A_189 : vector<16xi32> to vector<1x16xi32>
    tpu.vector_store %arg6[%swap3A_191, %swap3A_192], %swap3A_195 {strides = array<i32>} : memref<3x80xi32, #tpu.memory_space<vmem>>, vector<1x16xi32>,
    %shift_right_logical3A_196 = arith.constant 16 : i32
    %shift_right_logical3A_197 = vector.broadcast %shift_right_logical3A_196 : i32 to vector<16xi32>
    %shift_right_logical3A_198 = arith.shrui %get3A_186, %shift_right_logical3A_197 : vector<16xi32>
    %swap3A_199 = arith.constant 0 : i32
    %swap3A_200 = arith.index_cast %swap3A_199 : i32 to index
    %swap3A_201 = arith.constant 64 : index
    %swap3A_202 = tpu.vector_load %arg7[%swap3A_200, %swap3A_201] {strides = array<i32>} : memref<3x80xi32, #tpu.memory_space<vmem>>, vector<1x16xi32>,
    %swap3A_203 = vector.shape_cast %swap3A_202 : vector<1x16xi32> to vector<16xi32>
    %swap3A_204 = vector.shape_cast %shift_right_logical3A_198 : vector<16xi32> to vector<1x16xi32>
    tpu.vector_store %arg7[%swap3A_200, %swap3A_201], %swap3A_204 {strides = array<i32>} : memref<3x80xi32, #tpu.memory_space<vmem>>, vector<1x16xi32>,
    %dma_start3A_205 = arith.constant 0 : i32
    %dma_start3A_206 = arith.constant 0 : i32
    %dma_start3A_207 = arith.constant 0 : i32
    %dma_start3A_208 = arith.constant 0 : i32
    %dma_start3A_209 = arith.constant 0 : i32
    %dma_start3A_210 = tpu.memref_slice %arg8[%dma_start3A_206, %dma_start3A_208, %dma_start3A_209] : memref<3x80x128xf32, #tpu.memory_space<vmem>> -> memref<1x80x128xf32, #tpu.memory_space<vmem>>
    %dma_start3A_211 = tpu.memref_squeeze %dma_start3A_210 : memref<1x80x128xf32, #tpu.memory_space<vmem>> -> memref<80x128xf32, #tpu.memory_space<vmem>>
    %dma_start3A_212 = arith.constant 0 : i32
    %dma_start3A_213 = tpu.memref_slice %arg6[%dma_start3A_205, %dma_start3A_212] : memref<3x80xi32, #tpu.memory_space<vmem>> -> memref<1x80xi32, #tpu.memory_space<vmem>>
    %dma_start3A_214 = tpu.memref_squeeze %dma_start3A_213 : memref<1x80xi32, #tpu.memory_space<vmem>> -> memref<80xi32, #tpu.memory_space<vmem>>
    %dma_start3A_215 = arith.constant 0 : i32
    %dma_start3A_216 = arith.constant 0 : i32
    %dma_start3A_217 = tpu.memref_slice %arg2[%dma_start3A_215, %dma_start3A_216] : memref<10000x128xf32, #tpu.memory_space<hbm>> -> memref<10000x128xf32, #tpu.memory_space<hbm>>
    %dma_start3A_218 = tpu.memref_slice %arg10[%dma_start3A_207] : memref<3x!tpu.dma_semaphore, #tpu.memory_space<semaphore_mem>> -> memref<1x!tpu.dma_semaphore, #tpu.memory_space<semaphore_mem>>
    %dma_start3A_219 = tpu.memref_squeeze %dma_start3A_218 : memref<1x!tpu.dma_semaphore, #tpu.memory_space<semaphore_mem>> -> memref<!tpu.dma_semaphore, #tpu.memory_space<semaphore_mem>>
    tpu.enqueue_indirect_dma source(%dma_start3A_217 : memref<10000x128xf32, #tpu.memory_space<hbm>>) target(%dma_start3A_211 : memref<80x128xf32, #tpu.memory_space<vmem>>) offsets(%dma_start3A_214 : memref<80xi32, #tpu.memory_space<vmem>>) semaphore(%dma_start3A_219 : memref<!tpu.dma_semaphore, #tpu.memory_space<semaphore_mem>>)
    %dma_start3A_220 = arith.constant 1 : i32
    %dma_start3A_221 = arith.constant 1 : i32
    %dma_start3A_222 = arith.constant 1 : i32
    %dma_start3A_223 = arith.constant 0 : i32
    %dma_start3A_224 = tpu.memref_slice %arg5[%dma_start3A_221, %dma_start3A_223] : memref<3x80xi32, #tpu.memory_space<vmem>> -> memref<1x80xi32, #tpu.memory_space<vmem>>
    %dma_start3A_225 = tpu.memref_squeeze %dma_start3A_224 : memref<1x80xi32, #tpu.memory_space<vmem>> -> memref<80xi32, #tpu.memory_space<vmem>>
    %dma_start3A_226 = arith.constant 0 : i32
    %dma_start3A_227 = arith.constant 0 : i32
    %dma_start3A_228 = tpu.memref_slice %arg3[%add3A, %dma_start3A_226, %dma_start3A_227] : memref<32x125x80xi32, #tpu.memory_space<hbm>> -> memref<1x125x80xi32, #tpu.memory_space<hbm>>
    %dma_start3A_229 = tpu.memref_squeeze %dma_start3A_228 : memref<1x125x80xi32, #tpu.memory_space<hbm>> -> memref<125x80xi32, #tpu.memory_space<hbm>>
    %dma_start3A_230 = arith.constant 0 : i32
    %dma_start3A_231 = tpu.memref_slice %dma_start3A_229[%dma_start3A_220, %dma_start3A_230] : memref<125x80xi32, #tpu.memory_space<hbm>> -> memref<1x80xi32, #tpu.memory_space<hbm>>
    %dma_start3A_232 = tpu.memref_squeeze %dma_start3A_231 : memref<1x80xi32, #tpu.memory_space<hbm>> -> memref<80xi32, #tpu.memory_space<hbm>>
    %dma_start3A_233 = tpu.memref_slice %arg12[%dma_start3A_222] : memref<3x!tpu.dma_semaphore, #tpu.memory_space<semaphore_mem>> -> memref<1x!tpu.dma_semaphore, #tpu.memory_space<semaphore_mem>>
    %dma_start3A_234 = tpu.memref_squeeze %dma_start3A_233 : memref<1x!tpu.dma_semaphore, #tpu.memory_space<semaphore_mem>> -> memref<!tpu.dma_semaphore, #tpu.memory_space<semaphore_mem>>
    %dma_start3A_235 = arith.constant 0 : i32
    %dma_start3A_236 = tpu.memref_slice %arg5[%dma_start3A_221, %dma_start3A_235] : memref<3x80xi32, #tpu.memory_space<vmem>> -> memref<1x80xi32, #tpu.memory_space<vmem>>
    %dma_start3A_237 = tpu.memref_squeeze %dma_start3A_236 : memref<1x80xi32, #tpu.memory_space<vmem>> -> memref<80xi32, #tpu.memory_space<vmem>>
    %dma_start3A_238 = arith.constant 0 : i32
    %dma_start3A_239 = arith.constant 0 : i32
    %dma_start3A_240 = tpu.memref_slice %arg3[%add3A, %dma_start3A_238, %dma_start3A_239] : memref<32x125x80xi32, #tpu.memory_space<hbm>> -> memref<1x125x80xi32, #tpu.memory_space<hbm>>
    %dma_start3A_241 = tpu.memref_squeeze %dma_start3A_240 : memref<1x125x80xi32, #tpu.memory_space<hbm>> -> memref<125x80xi32, #tpu.memory_space<hbm>>
    %dma_start3A_242 = arith.constant 0 : i32
    %dma_start3A_243 = tpu.memref_slice %dma_start3A_241[%dma_start3A_220, %dma_start3A_242] : memref<125x80xi32, #tpu.memory_space<hbm>> -> memref<1x80xi32, #tpu.memory_space<hbm>>
    %dma_start3A_244 = tpu.memref_squeeze %dma_start3A_243 : memref<1x80xi32, #tpu.memory_space<hbm>> -> memref<80xi32, #tpu.memory_space<hbm>>
    tpu.enqueue_dma source(%dma_start3A_244 : memref<80xi32, #tpu.memory_space<hbm>>) target(%dma_start3A_237 : memref<80xi32, #tpu.memory_space<vmem>>) target_semaphore(%dma_start3A_234 : memref<!tpu.dma_semaphore, #tpu.memory_space<semaphore_mem>>)
    %dma_wait3A_245 = arith.constant 1 : i32
    %dma_wait3A_246 = arith.constant 1 : i32
    %dma_wait3A_247 = arith.constant 1 : i32
    %dma_wait3A_248 = arith.constant 0 : i32
    %dma_wait3A_249 = tpu.memref_slice %arg5[%dma_wait3A_246, %dma_wait3A_248] : memref<3x80xi32, #tpu.memory_space<vmem>> -> memref<1x80xi32, #tpu.memory_space<vmem>>
    %dma_wait3A_250 = tpu.memref_squeeze %dma_wait3A_249 : memref<1x80xi32, #tpu.memory_space<vmem>> -> memref<80xi32, #tpu.memory_space<vmem>>
    %dma_wait3A_251 = arith.constant 0 : i32
    %dma_wait3A_252 = arith.constant 0 : i32
    %dma_wait3A_253 = tpu.memref_slice %arg3[%add3A, %dma_wait3A_251, %dma_wait3A_252] : memref<32x125x80xi32, #tpu.memory_space<hbm>> -> memref<1x125x80xi32, #tpu.memory_space<hbm>>
    %dma_wait3A_254 = tpu.memref_squeeze %dma_wait3A_253 : memref<1x125x80xi32, #tpu.memory_space<hbm>> -> memref<125x80xi32, #tpu.memory_space<hbm>>
    %dma_wait3A_255 = arith.constant 0 : i32
    %dma_wait3A_256 = tpu.memref_slice %dma_wait3A_254[%dma_wait3A_245, %dma_wait3A_255] : memref<125x80xi32, #tpu.memory_space<hbm>> -> memref<1x80xi32, #tpu.memory_space<hbm>>
    %dma_wait3A_257 = tpu.memref_squeeze %dma_wait3A_256 : memref<1x80xi32, #tpu.memory_space<hbm>> -> memref<80xi32, #tpu.memory_space<hbm>>
    %dma_wait3A_258 = tpu.memref_slice %arg12[%dma_wait3A_247] : memref<3x!tpu.dma_semaphore, #tpu.memory_space<semaphore_mem>> -> memref<1x!tpu.dma_semaphore, #tpu.memory_space<semaphore_mem>>
    %dma_wait3A_259 = tpu.memref_squeeze %dma_wait3A_258 : memref<1x!tpu.dma_semaphore, #tpu.memory_space<semaphore_mem>> -> memref<!tpu.dma_semaphore, #tpu.memory_space<semaphore_mem>>
    %dma_wait3A_260 = arith.constant 0 : i32
    %dma_wait3A_261 = tpu.memref_slice %arg5[%dma_wait3A_246, %dma_wait3A_260] : memref<3x80xi32, #tpu.memory_space<vmem>> -> memref<1x80xi32, #tpu.memory_space<vmem>>
    %dma_wait3A_262 = tpu.memref_squeeze %dma_wait3A_261 : memref<1x80xi32, #tpu.memory_space<vmem>> -> memref<80xi32, #tpu.memory_space<vmem>>
    %dma_wait3A_263 = arith.constant 0 : i32
    %dma_wait3A_264 = arith.constant 0 : i32
    %dma_wait3A_265 = tpu.memref_slice %arg3[%add3A, %dma_wait3A_263, %dma_wait3A_264] : memref<32x125x80xi32, #tpu.memory_space<hbm>> -> memref<1x125x80xi32, #tpu.memory_space<hbm>>
    %dma_wait3A_266 = tpu.memref_squeeze %dma_wait3A_265 : memref<1x125x80xi32, #tpu.memory_space<hbm>> -> memref<125x80xi32, #tpu.memory_space<hbm>>
    %dma_wait3A_267 = arith.constant 0 : i32
    %dma_wait3A_268 = tpu.memref_slice %dma_wait3A_266[%dma_wait3A_245, %dma_wait3A_267] : memref<125x80xi32, #tpu.memory_space<hbm>> -> memref<1x80xi32, #tpu.memory_space<hbm>>
    %dma_wait3A_269 = tpu.memref_squeeze %dma_wait3A_268 : memref<1x80xi32, #tpu.memory_space<hbm>> -> memref<80xi32, #tpu.memory_space<hbm>>
    tpu.wait_dma2 semaphore(%dma_wait3A_259 : memref<!tpu.dma_semaphore, #tpu.memory_space<semaphore_mem>>) src(%dma_wait3A_269 : memref<80xi32, #tpu.memory_space<hbm>>) dst(%dma_wait3A_262 : memref<80xi32, #tpu.memory_space<vmem>>)
    %get3A_270 = arith.constant 1 : i32
    %get3A_271 = arith.index_cast %get3A_270 : i32 to index
    %get3A_272 = arith.constant 0 : index
    %get3A_273 = tpu.vector_load %arg5[%get3A_271, %get3A_272] {strides = array<i32>} : memref<3x80xi32, #tpu.memory_space<vmem>>, vector<1x16xi32>,
    %get3A_274 = vector.shape_cast %get3A_273 : vector<1x16xi32> to vector<16xi32>
    %and3A_275 = arith.constant 65535 : i32
    %and3A_276 = vector.broadcast %and3A_275 : i32 to vector<16xi32>
    %and3A_277 = arith.andi %get3A_274, %and3A_276 : vector<16xi32>
    %swap3A_278 = arith.constant 1 : i32
    %swap3A_279 = arith.index_cast %swap3A_278 : i32 to index
    %swap3A_280 = arith.constant 0 : index
    %swap3A_281 = tpu.vector_load %arg6[%swap3A_279, %swap3A_280] {strides = array<i32>} : memref<3x80xi32, #tpu.memory_space<vmem>>, vector<1x16xi32>,
    %swap3A_282 = vector.shape_cast %swap3A_281 : vector<1x16xi32> to vector<16xi32>
    %swap3A_283 = vector.shape_cast %and3A_277 : vector<16xi32> to vector<1x16xi32>
    tpu.vector_store %arg6[%swap3A_279, %swap3A_280], %swap3A_283 {strides = array<i32>} : memref<3x80xi32, #tpu.memory_space<vmem>>, vector<1x16xi32>,
    %shift_right_logical3A_284 = arith.constant 16 : i32
    %shift_right_logical3A_285 = vector.broadcast %shift_right_logical3A_284 : i32 to vector<16xi32>
    %shift_right_logical3A_286 = arith.shrui %get3A_274, %shift_right_logical3A_285 : vector<16xi32>
    %swap3A_287 = arith.constant 1 : i32
    %swap3A_288 = arith.index_cast %swap3A_287 : i32 to index
    %swap3A_289 = arith.constant 0 : index
    %swap3A_290 = tpu.vector_load %arg7[%swap3A_288, %swap3A_289] {strides = array<i32>} : memref<3x80xi32, #tpu.memory_space<vmem>>, vector<1x16xi32>,
    %swap3A_291 = vector.shape_cast %swap3A_290 : vector<1x16xi32> to vector<16xi32>
    %swap3A_292 = vector.shape_cast %shift_right_logical3A_286 : vector<16xi32> to vector<1x16xi32>
    tpu.vector_store %arg7[%swap3A_288, %swap3A_289], %swap3A_292 {strides = array<i32>} : memref<3x80xi32, #tpu.memory_space<vmem>>, vector<1x16xi32>,
    %get3A_293 = arith.constant 1 : i32
    %get3A_294 = arith.index_cast %get3A_293 : i32 to index
    %get3A_295 = arith.constant 16 : index
    %get3A_296 = tpu.vector_load %arg5[%get3A_294, %get3A_295] {strides = array<i32>} : memref<3x80xi32, #tpu.memory_space<vmem>>, vector<1x16xi32>,
    %get3A_297 = vector.shape_cast %get3A_296 : vector<1x16xi32> to vector<16xi32>
    %and3A_298 = arith.constant 65535 : i32
    %and3A_299 = vector.broadcast %and3A_298 : i32 to vector<16xi32>
    %and3A_300 = arith.andi %get3A_297, %and3A_299 : vector<16xi32>
    %swap3A_301 = arith.constant 1 : i32
    %swap3A_302 = arith.index_cast %swap3A_301 : i32 to index
    %swap3A_303 = arith.constant 16 : index
    %swap3A_304 = tpu.vector_load %arg6[%swap3A_302, %swap3A_303] {strides = array<i32>} : memref<3x80xi32, #tpu.memory_space<vmem>>, vector<1x16xi32>,
    %swap3A_305 = vector.shape_cast %swap3A_304 : vector<1x16xi32> to vector<16xi32>
    %swap3A_306 = vector.shape_cast %and3A_300 : vector<16xi32> to vector<1x16xi32>
    tpu.vector_store %arg6[%swap3A_302, %swap3A_303], %swap3A_306 {strides = array<i32>} : memref<3x80xi32, #tpu.memory_space<vmem>>, vector<1x16xi32>,
    %shift_right_logical3A_307 = arith.constant 16 : i32
    %shift_right_logical3A_308 = vector.broadcast %shift_right_logical3A_307 : i32 to vector<16xi32>
    %shift_right_logical3A_309 = arith.shrui %get3A_297, %shift_right_logical3A_308 : vector<16xi32>
    %swap3A_310 = arith.constant 1 : i32
    %swap3A_311 = arith.index_cast %swap3A_310 : i32 to index
    %swap3A_312 = arith.constant 16 : index
    %swap3A_313 = tpu.vector_load %arg7[%swap3A_311, %swap3A_312] {strides = array<i32>} : memref<3x80xi32, #tpu.memory_space<vmem>>, vector<1x16xi32>,
    %swap3A_314 = vector.shape_cast %swap3A_313 : vector<1x16xi32> to vector<16xi32>
    %swap3A_315 = vector.shape_cast %shift_right_logical3A_309 : vector<16xi32> to vector<1x16xi32>
    tpu.vector_store %arg7[%swap3A_311, %swap3A_312], %swap3A_315 {strides = array<i32>} : memref<3x80xi32, #tpu.memory_space<vmem>>, vector<1x16xi32>,
    %get3A_316 = arith.constant 1 : i32
    %get3A_317 = arith.index_cast %get3A_316 : i32 to index
    %get3A_318 = arith.constant 32 : index
    %get3A_319 = tpu.vector_load %arg5[%get3A_317, %get3A_318] {strides = array<i32>} : memref<3x80xi32, #tpu.memory_space<vmem>>, vector<1x16xi32>,
    %get3A_320 = vector.shape_cast %get3A_319 : vector<1x16xi32> to vector<16xi32>
    %and3A_321 = arith.constant 65535 : i32
    %and3A_322 = vector.broadcast %and3A_321 : i32 to vector<16xi32>
    %and3A_323 = arith.andi %get3A_320, %and3A_322 : vector<16xi32>
    %swap3A_324 = arith.constant 1 : i32
    %swap3A_325 = arith.index_cast %swap3A_324 : i32 to index
    %swap3A_326 = arith.constant 32 : index
    %swap3A_327 = tpu.vector_load %arg6[%swap3A_325, %swap3A_326] {strides = array<i32>} : memref<3x80xi32, #tpu.memory_space<vmem>>, vector<1x16xi32>,
    %swap3A_328 = vector.shape_cast %swap3A_327 : vector<1x16xi32> to vector<16xi32>
    %swap3A_329 = vector.shape_cast %and3A_323 : vector<16xi32> to vector<1x16xi32>
    tpu.vector_store %arg6[%swap3A_325, %swap3A_326], %swap3A_329 {strides = array<i32>} : memref<3x80xi32, #tpu.memory_space<vmem>>, vector<1x16xi32>,
    %shift_right_logical3A_330 = arith.constant 16 : i32
    %shift_right_logical3A_331 = vector.broadcast %shift_right_logical3A_330 : i32 to vector<16xi32>
    %shift_right_logical3A_332 = arith.shrui %get3A_320, %shift_right_logical3A_331 : vector<16xi32>
    %swap3A_333 = arith.constant 1 : i32
    %swap3A_334 = arith.index_cast %swap3A_333 : i32 to index
    %swap3A_335 = arith.constant 32 : index
    %swap3A_336 = tpu.vector_load %arg7[%swap3A_334, %swap3A_335] {strides = array<i32>} : memref<3x80xi32, #tpu.memory_space<vmem>>, vector<1x16xi32>,
    %swap3A_337 = vector.shape_cast %swap3A_336 : vector<1x16xi32> to vector<16xi32>
    %swap3A_338 = vector.shape_cast %shift_right_logical3A_332 : vector<16xi32> to vector<1x16xi32>
    tpu.vector_store %arg7[%swap3A_334, %swap3A_335], %swap3A_338 {strides = array<i32>} : memref<3x80xi32, #tpu.memory_space<vmem>>, vector<1x16xi32>,
    %get3A_339 = arith.constant 1 : i32
    %get3A_340 = arith.index_cast %get3A_339 : i32 to index
    %get3A_341 = arith.constant 48 : index
    %get3A_342 = tpu.vector_load %arg5[%get3A_340, %get3A_341] {strides = array<i32>} : memref<3x80xi32, #tpu.memory_space<vmem>>, vector<1x16xi32>,
    %get3A_343 = vector.shape_cast %get3A_342 : vector<1x16xi32> to vector<16xi32>
    %and3A_344 = arith.constant 65535 : i32
    %and3A_345 = vector.broadcast %and3A_344 : i32 to vector<16xi32>
    %and3A_346 = arith.andi %get3A_343, %and3A_345 : vector<16xi32>
    %swap3A_347 = arith.constant 1 : i32
    %swap3A_348 = arith.index_cast %swap3A_347 : i32 to index
    %swap3A_349 = arith.constant 48 : index
    %swap3A_350 = tpu.vector_load %arg6[%swap3A_348, %swap3A_349] {strides = array<i32>} : memref<3x80xi32, #tpu.memory_space<vmem>>, vector<1x16xi32>,
    %swap3A_351 = vector.shape_cast %swap3A_350 : vector<1x16xi32> to vector<16xi32>
    %swap3A_352 = vector.shape_cast %and3A_346 : vector<16xi32> to vector<1x16xi32>
    tpu.vector_store %arg6[%swap3A_348, %swap3A_349], %swap3A_352 {strides = array<i32>} : memref<3x80xi32, #tpu.memory_space<vmem>>, vector<1x16xi32>,
    %shift_right_logical3A_353 = arith.constant 16 : i32
    %shift_right_logical3A_354 = vector.broadcast %shift_right_logical3A_353 : i32 to vector<16xi32>
    %shift_right_logical3A_355 = arith.shrui %get3A_343, %shift_right_logical3A_354 : vector<16xi32>
    %swap3A_356 = arith.constant 1 : i32
    %swap3A_357 = arith.index_cast %swap3A_356 : i32 to index
    %swap3A_358 = arith.constant 48 : index
    %swap3A_359 = tpu.vector_load %arg7[%swap3A_357, %swap3A_358] {strides = array<i32>} : memref<3x80xi32, #tpu.memory_space<vmem>>, vector<1x16xi32>,
    %swap3A_360 = vector.shape_cast %swap3A_359 : vector<1x16xi32> to vector<16xi32>
    %swap3A_361 = vector.shape_cast %shift_right_logical3A_355 : vector<16xi32> to vector<1x16xi32>
    tpu.vector_store %arg7[%swap3A_357, %swap3A_358], %swap3A_361 {strides = array<i32>} : memref<3x80xi32, #tpu.memory_space<vmem>>, vector<1x16xi32>,
    %get3A_362 = arith.constant 1 : i32
    %get3A_363 = arith.index_cast %get3A_362 : i32 to index
    %get3A_364 = arith.constant 64 : index
    %get3A_365 = tpu.vector_load %arg5[%get3A_363, %get3A_364] {strides = array<i32>} : memref<3x80xi32, #tpu.memory_space<vmem>>, vector<1x16xi32>,
    %get3A_366 = vector.shape_cast %get3A_365 : vector<1x16xi32> to vector<16xi32>
    %and3A_367 = arith.constant 65535 : i32
    %and3A_368 = vector.broadcast %and3A_367 : i32 to vector<16xi32>
    %and3A_369 = arith.andi %get3A_366, %and3A_368 : vector<16xi32>
    %swap3A_370 = arith.constant 1 : i32
    %swap3A_371 = arith.index_cast %swap3A_370 : i32 to index
    %swap3A_372 = arith.constant 64 : index
    %swap3A_373 = tpu.vector_load %arg6[%swap3A_371, %swap3A_372] {strides = array<i32>} : memref<3x80xi32, #tpu.memory_space<vmem>>, vector<1x16xi32>,
    %swap3A_374 = vector.shape_cast %swap3A_373 : vector<1x16xi32> to vector<16xi32>
    %swap3A_375 = vector.shape_cast %and3A_369 : vector<16xi32> to vector<1x16xi32>
    tpu.vector_store %arg6[%swap3A_371, %swap3A_372], %swap3A_375 {strides = array<i32>} : memref<3x80xi32, #tpu.memory_space<vmem>>, vector<1x16xi32>,
    %shift_right_logical3A_376 = arith.constant 16 : i32
    %shift_right_logical3A_377 = vector.broadcast %shift_right_logical3A_376 : i32 to vector<16xi32>
    %shift_right_logical3A_378 = arith.shrui %get3A_366, %shift_right_logical3A_377 : vector<16xi32>
    %swap3A_379 = arith.constant 1 : i32
    %swap3A_380 = arith.index_cast %swap3A_379 : i32 to index
    %swap3A_381 = arith.constant 64 : index
    %swap3A_382 = tpu.vector_load %arg7[%swap3A_380, %swap3A_381] {strides = array<i32>} : memref<3x80xi32, #tpu.memory_space<vmem>>, vector<1x16xi32>,
    %swap3A_383 = vector.shape_cast %swap3A_382 : vector<1x16xi32> to vector<16xi32>
    %swap3A_384 = vector.shape_cast %shift_right_logical3A_378 : vector<16xi32> to vector<1x16xi32>
    tpu.vector_store %arg7[%swap3A_380, %swap3A_381], %swap3A_384 {strides = array<i32>} : memref<3x80xi32, #tpu.memory_space<vmem>>, vector<1x16xi32>,
    %dma_start3A_385 = arith.constant 1 : i32
    %dma_start3A_386 = arith.constant 1 : i32
    %dma_start3A_387 = arith.constant 1 : i32
    %dma_start3A_388 = arith.constant 0 : i32
    %dma_start3A_389 = arith.constant 0 : i32
    %dma_start3A_390 = tpu.memref_slice %arg8[%dma_start3A_386, %dma_start3A_388, %dma_start3A_389] : memref<3x80x128xf32, #tpu.memory_space<vmem>> -> memref<1x80x128xf32, #tpu.memory_space<vmem>>
    %dma_start3A_391 = tpu.memref_squeeze %dma_start3A_390 : memref<1x80x128xf32, #tpu.memory_space<vmem>> -> memref<80x128xf32, #tpu.memory_space<vmem>>
    %dma_start3A_392 = arith.constant 0 : i32
    %dma_start3A_393 = tpu.memref_slice %arg6[%dma_start3A_385, %dma_start3A_392] : memref<3x80xi32, #tpu.memory_space<vmem>> -> memref<1x80xi32, #tpu.memory_space<vmem>>
    %dma_start3A_394 = tpu.memref_squeeze %dma_start3A_393 : memref<1x80xi32, #tpu.memory_space<vmem>> -> memref<80xi32, #tpu.memory_space<vmem>>
    %dma_start3A_395 = arith.constant 0 : i32
    %dma_start3A_396 = arith.constant 0 : i32
    %dma_start3A_397 = tpu.memref_slice %arg2[%dma_start3A_395, %dma_start3A_396] : memref<10000x128xf32, #tpu.memory_space<hbm>> -> memref<10000x128xf32, #tpu.memory_space<hbm>>
    %dma_start3A_398 = tpu.memref_slice %arg10[%dma_start3A_387] : memref<3x!tpu.dma_semaphore, #tpu.memory_space<semaphore_mem>> -> memref<1x!tpu.dma_semaphore, #tpu.memory_space<semaphore_mem>>
    %dma_start3A_399 = tpu.memref_squeeze %dma_start3A_398 : memref<1x!tpu.dma_semaphore, #tpu.memory_space<semaphore_mem>> -> memref<!tpu.dma_semaphore, #tpu.memory_space<semaphore_mem>>
    tpu.enqueue_indirect_dma source(%dma_start3A_397 : memref<10000x128xf32, #tpu.memory_space<hbm>>) target(%dma_start3A_391 : memref<80x128xf32, #tpu.memory_space<vmem>>) offsets(%dma_start3A_394 : memref<80xi32, #tpu.memory_space<vmem>>) semaphore(%dma_start3A_399 : memref<!tpu.dma_semaphore, #tpu.memory_space<semaphore_mem>>)
    %dma_start3A_400 = arith.constant 2 : i32
    %dma_start3A_401 = arith.constant 2 : i32
    %dma_start3A_402 = arith.constant 2 : i32
    %dma_start3A_403 = arith.constant 0 : i32
    %dma_start3A_404 = tpu.memref_slice %arg5[%dma_start3A_401, %dma_start3A_403] : memref<3x80xi32, #tpu.memory_space<vmem>> -> memref<1x80xi32, #tpu.memory_space<vmem>>
    %dma_start3A_405 = tpu.memref_squeeze %dma_start3A_404 : memref<1x80xi32, #tpu.memory_space<vmem>> -> memref<80xi32, #tpu.memory_space<vmem>>
    %dma_start3A_406 = arith.constant 0 : i32
    %dma_start3A_407 = arith.constant 0 : i32
    %dma_start3A_408 = tpu.memref_slice %arg3[%add3A, %dma_start3A_406, %dma_start3A_407] : memref<32x125x80xi32, #tpu.memory_space<hbm>> -> memref<1x125x80xi32, #tpu.memory_space<hbm>>
    %dma_start3A_409 = tpu.memref_squeeze %dma_start3A_408 : memref<1x125x80xi32, #tpu.memory_space<hbm>> -> memref<125x80xi32, #tpu.memory_space<hbm>>
    %dma_start3A_410 = arith.constant 0 : i32
    %dma_start3A_411 = tpu.memref_slice %dma_start3A_409[%dma_start3A_400, %dma_start3A_410] : memref<125x80xi32, #tpu.memory_space<hbm>> -> memref<1x80xi32, #tpu.memory_space<hbm>>
    %dma_start3A_412 = tpu.memref_squeeze %dma_start3A_411 : memref<1x80xi32, #tpu.memory_space<hbm>> -> memref<80xi32, #tpu.memory_space<hbm>>
    %dma_start3A_413 = tpu.memref_slice %arg12[%dma_start3A_402] : memref<3x!tpu.dma_semaphore, #tpu.memory_space<semaphore_mem>> -> memref<1x!tpu.dma_semaphore, #tpu.memory_space<semaphore_mem>>
    %dma_start3A_414 = tpu.memref_squeeze %dma_start3A_413 : memref<1x!tpu.dma_semaphore, #tpu.memory_space<semaphore_mem>> -> memref<!tpu.dma_semaphore, #tpu.memory_space<semaphore_mem>>
    %dma_start3A_415 = arith.constant 0 : i32
    %dma_start3A_416 = tpu.memref_slice %arg5[%dma_start3A_401, %dma_start3A_415] : memref<3x80xi32, #tpu.memory_space<vmem>> -> memref<1x80xi32, #tpu.memory_space<vmem>>
    %dma_start3A_417 = tpu.memref_squeeze %dma_start3A_416 : memref<1x80xi32, #tpu.memory_space<vmem>> -> memref<80xi32, #tpu.memory_space<vmem>>
    %dma_start3A_418 = arith.constant 0 : i32
    %dma_start3A_419 = arith.constant 0 : i32
    %dma_start3A_420 = tpu.memref_slice %arg3[%add3A, %dma_start3A_418, %dma_start3A_419] : memref<32x125x80xi32, #tpu.memory_space<hbm>> -> memref<1x125x80xi32, #tpu.memory_space<hbm>>
    %dma_start3A_421 = tpu.memref_squeeze %dma_start3A_420 : memref<1x125x80xi32, #tpu.memory_space<hbm>> -> memref<125x80xi32, #tpu.memory_space<hbm>>
    %dma_start3A_422 = arith.constant 0 : i32
    %dma_start3A_423 = tpu.memref_slice %dma_start3A_421[%dma_start3A_400, %dma_start3A_422] : memref<125x80xi32, #tpu.memory_space<hbm>> -> memref<1x80xi32, #tpu.memory_space<hbm>>
    %dma_start3A_424 = tpu.memref_squeeze %dma_start3A_423 : memref<1x80xi32, #tpu.memory_space<hbm>> -> memref<80xi32, #tpu.memory_space<hbm>>
    tpu.enqueue_dma source(%dma_start3A_424 : memref<80xi32, #tpu.memory_space<hbm>>) target(%dma_start3A_417 : memref<80xi32, #tpu.memory_space<vmem>>) target_semaphore(%dma_start3A_414 : memref<!tpu.dma_semaphore, #tpu.memory_space<semaphore_mem>>)
    %scan3A_425 = arith.constant 0 : i32
    %scan3A_426 = arith.constant 0 : i32
    %scan3A_427 = arith.constant 42 : i32
    %scan3A_428 = arith.addi %scan3A_426, %scan3A_427 : i32
    %scan3A_429 = arith.constant 1 : i32
    scf.for %scan3A_449 = %scan3A_426 to %scan3A_428 step %scan3A_429  : i32 {
      %mul3A_450 = arith.constant 3 : i32
      %mul3A_451 = arith.muli %mul3A_450, %scan3A_449 : i32
      %add3A_452 = arith.constant 0 : i32
      %add3A_453 = arith.addi %mul3A_451, %add3A_452 : i32
      %lt3A = arith.constant 125 : i32
      %lt3A_454 = arith.cmpi slt, %add3A_453, %lt3A : i32
      %convert_element_type3A = arith.extui %lt3A_454 : i1 to i32
      %cond3A = arith.constant 0 : i32
      %cond3A_455 = arith.cmpi ne, %convert_element_type3A, %cond3A : i32
      scf.if %cond3A_455 {
        %ge3A = arith.constant 1 : i32
        %ge3A_474 = arith.cmpi sge, %add3A_453, %ge3A : i32
        %convert_element_type3A_475 = arith.extui %ge3A_474 : i1 to i32
        %cond3A_476 = arith.constant 0 : i32
        %cond3A_477 = arith.cmpi ne, %convert_element_type3A_475, %cond3A_476 : i32
        scf.if %cond3A_477 {
          %dma_wait3A_522 = arith.constant 2 : i32
          %dma_wait3A_523 = arith.constant 2 : i32
          %dma_wait3A_524 = arith.constant 2 : i32
          %dma_wait3A_525 = arith.constant 0 : i32
          %dma_wait3A_526 = arith.constant 0 : i32
          %dma_wait3A_527 = tpu.memref_slice %arg8[%dma_wait3A_522, %dma_wait3A_525, %dma_wait3A_526] : memref<3x80x128xf32, #tpu.memory_space<vmem>> -> memref<1x80x128xf32, #tpu.memory_space<vmem>>
          %dma_wait3A_528 = tpu.memref_squeeze %dma_wait3A_527 : memref<1x80x128xf32, #tpu.memory_space<vmem>> -> memref<80x128xf32, #tpu.memory_space<vmem>>
          %dma_wait3A_529 = arith.constant 0 : i32
          %dma_wait3A_530 = tpu.memref_slice %arg7[%dma_wait3A_523, %dma_wait3A_529] : memref<3x80xi32, #tpu.memory_space<vmem>> -> memref<1x80xi32, #tpu.memory_space<vmem>>
          %dma_wait3A_531 = tpu.memref_squeeze %dma_wait3A_530 : memref<1x80xi32, #tpu.memory_space<vmem>> -> memref<80xi32, #tpu.memory_space<vmem>>
          %dma_wait3A_532 = arith.constant 0 : i32
          %dma_wait3A_533 = arith.constant 0 : i32
          %dma_wait3A_534 = tpu.memref_slice %arg9[%dma_wait3A_532, %dma_wait3A_533] : memref<10240x128xf32, #tpu.memory_space<vmem_shared>> -> memref<10240x128xf32, #tpu.memory_space<vmem_shared>>
          %dma_wait3A_535 = tpu.memref_slice %arg11[%dma_wait3A_524] : memref<3x!tpu.dma_semaphore, #tpu.memory_space<semaphore_mem>> -> memref<1x!tpu.dma_semaphore, #tpu.memory_space<semaphore_mem>>
          %dma_wait3A_536 = tpu.memref_squeeze %dma_wait3A_535 : memref<1x!tpu.dma_semaphore, #tpu.memory_space<semaphore_mem>> -> memref<!tpu.dma_semaphore, #tpu.memory_space<semaphore_mem>>
          tpu.wait_indirect_dma semaphore(%dma_wait3A_536 : memref<!tpu.dma_semaphore, #tpu.memory_space<semaphore_mem>>) src(%dma_wait3A_528 : memref<80x128xf32, #tpu.memory_space<vmem>>) dst(%dma_wait3A_534 : memref<10240x128xf32, #tpu.memory_space<vmem_shared>>)
        } else {
        }
        %add3A_478 = arith.constant 2 : i32
        %add3A_479 = arith.addi %add3A_453, %add3A_478 : i32
        %lt3A_480 = arith.constant 125 : i32
        %lt3A_481 = arith.cmpi slt, %add3A_479, %lt3A_480 : i32
        %convert_element_type3A_482 = arith.extui %lt3A_481 : i1 to i32
        %cond3A_483 = arith.constant 0 : i32
        %cond3A_484 = arith.cmpi ne, %convert_element_type3A_482, %cond3A_483 : i32
        scf.if %cond3A_484 {
          %add3A_522 = arith.constant 2 : i32
          %add3A_523 = arith.addi %add3A_453, %add3A_522 : i32
          %dma_wait3A_524 = arith.constant 2 : i32
          %dma_wait3A_525 = arith.constant 2 : i32
          %dma_wait3A_526 = arith.constant 0 : i32
          %dma_wait3A_527 = tpu.memref_slice %arg5[%dma_wait3A_524, %dma_wait3A_526] : memref<3x80xi32, #tpu.memory_space<vmem>> -> memref<1x80xi32, #tpu.memory_space<vmem>>
          %dma_wait3A_528 = tpu.memref_squeeze %dma_wait3A_527 : memref<1x80xi32, #tpu.memory_space<vmem>> -> memref<80xi32, #tpu.memory_space<vmem>>
          %dma_wait3A_529 = arith.constant 0 : i32
          %dma_wait3A_530 = arith.constant 0 : i32
          %dma_wait3A_531 = tpu.memref_slice %arg3[%add3A, %dma_wait3A_529, %dma_wait3A_530] : memref<32x125x80xi32, #tpu.memory_space<hbm>> -> memref<1x125x80xi32, #tpu.memory_space<hbm>>
          %dma_wait3A_532 = tpu.memref_squeeze %dma_wait3A_531 : memref<1x125x80xi32, #tpu.memory_space<hbm>> -> memref<125x80xi32, #tpu.memory_space<hbm>>
          %dma_wait3A_533 = arith.constant 0 : i32
          %dma_wait3A_534 = tpu.memref_slice %dma_wait3A_532[%add3A_523, %dma_wait3A_533] : memref<125x80xi32, #tpu.memory_space<hbm>> -> memref<1x80xi32, #tpu.memory_space<hbm>>
          %dma_wait3A_535 = tpu.memref_squeeze %dma_wait3A_534 : memref<1x80xi32, #tpu.memory_space<hbm>> -> memref<80xi32, #tpu.memory_space<hbm>>
          %dma_wait3A_536 = tpu.memref_slice %arg12[%dma_wait3A_525] : memref<3x!tpu.dma_semaphore, #tpu.memory_space<semaphore_mem>> -> memref<1x!tpu.dma_semaphore, #tpu.memory_space<semaphore_mem>>
          %dma_wait3A_537 = tpu.memref_squeeze %dma_wait3A_536 : memref<1x!tpu.dma_semaphore, #tpu.memory_space<semaphore_mem>> -> memref<!tpu.dma_semaphore, #tpu.memory_space<semaphore_mem>>
          %dma_wait3A_538 = arith.constant 0 : i32
          %dma_wait3A_539 = tpu.memref_slice %arg5[%dma_wait3A_524, %dma_wait3A_538] : memref<3x80xi32, #tpu.memory_space<vmem>> -> memref<1x80xi32, #tpu.memory_space<vmem>>
          %dma_wait3A_540 = tpu.memref_squeeze %dma_wait3A_539 : memref<1x80xi32, #tpu.memory_space<vmem>> -> memref<80xi32, #tpu.memory_space<vmem>>
          %dma_wait3A_541 = arith.constant 0 : i32
          %dma_wait3A_542 = arith.constant 0 : i32
          %dma_wait3A_543 = tpu.memref_slice %arg3[%add3A, %dma_wait3A_541, %dma_wait3A_542] : memref<32x125x80xi32, #tpu.memory_space<hbm>> -> memref<1x125x80xi32, #tpu.memory_space<hbm>>
          %dma_wait3A_544 = tpu.memref_squeeze %dma_wait3A_543 : memref<1x125x80xi32, #tpu.memory_space<hbm>> -> memref<125x80xi32, #tpu.memory_space<hbm>>
          %dma_wait3A_545 = arith.constant 0 : i32
          %dma_wait3A_546 = tpu.memref_slice %dma_wait3A_544[%add3A_523, %dma_wait3A_545] : memref<125x80xi32, #tpu.memory_space<hbm>> -> memref<1x80xi32, #tpu.memory_space<hbm>>
          %dma_wait3A_547 = tpu.memref_squeeze %dma_wait3A_546 : memref<1x80xi32, #tpu.memory_space<hbm>> -> memref<80xi32, #tpu.memory_space<hbm>>
          tpu.wait_dma2 semaphore(%dma_wait3A_537 : memref<!tpu.dma_semaphore, #tpu.memory_space<semaphore_mem>>) src(%dma_wait3A_547 : memref<80xi32, #tpu.memory_space<hbm>>) dst(%dma_wait3A_540 : memref<80xi32, #tpu.memory_space<vmem>>)
          %get3A_548 = arith.constant 2 : i32
          %get3A_549 = arith.index_cast %get3A_548 : i32 to index
          %get3A_550 = arith.constant 0 : index
          %get3A_551 = tpu.vector_load %arg5[%get3A_549, %get3A_550] {strides = array<i32>} : memref<3x80xi32, #tpu.memory_space<vmem>>, vector<1x16xi32>,
          %get3A_552 = vector.shape_cast %get3A_551 : vector<1x16xi32> to vector<16xi32>
          %and3A_553 = arith.constant 65535 : i32
          %and3A_554 = vector.broadcast %and3A_553 : i32 to vector<16xi32>
          %and3A_555 = arith.andi %get3A_552, %and3A_554 : vector<16xi32>
          %swap3A_556 = arith.constant 2 : i32
          %swap3A_557 = arith.index_cast %swap3A_556 : i32 to index
          %swap3A_558 = arith.constant 0 : index
          %swap3A_559 = tpu.vector_load %arg6[%swap3A_557, %swap3A_558] {strides = array<i32>} : memref<3x80xi32, #tpu.memory_space<vmem>>, vector<1x16xi32>,
          %swap3A_560 = vector.shape_cast %swap3A_559 : vector<1x16xi32> to vector<16xi32>
          %swap3A_561 = vector.shape_cast %and3A_555 : vector<16xi32> to vector<1x16xi32>
          tpu.vector_store %arg6[%swap3A_557, %swap3A_558], %swap3A_561 {strides = array<i32>} : memref<3x80xi32, #tpu.memory_space<vmem>>, vector<1x16xi32>,
          %shift_right_logical3A_562 = arith.constant 16 : i32
          %shift_right_logical3A_563 = vector.broadcast %shift_right_logical3A_562 : i32 to vector<16xi32>
          %shift_right_logical3A_564 = arith.shrui %get3A_552, %shift_right_logical3A_563 : vector<16xi32>
          %swap3A_565 = arith.constant 2 : i32
          %swap3A_566 = arith.index_cast %swap3A_565 : i32 to index
          %swap3A_567 = arith.constant 0 : index
          %swap3A_568 = tpu.vector_load %arg7[%swap3A_566, %swap3A_567] {strides = array<i32>} : memref<3x80xi32, #tpu.memory_space<vmem>>, vector<1x16xi32>,
          %swap3A_569 = vector.shape_cast %swap3A_568 : vector<1x16xi32> to vector<16xi32>
          %swap3A_570 = vector.shape_cast %shift_right_logical3A_564 : vector<16xi32> to vector<1x16xi32>
          tpu.vector_store %arg7[%swap3A_566, %swap3A_567], %swap3A_570 {strides = array<i32>} : memref<3x80xi32, #tpu.memory_space<vmem>>, vector<1x16xi32>,
          %get3A_571 = arith.constant 2 : i32
          %get3A_572 = arith.index_cast %get3A_571 : i32 to index
          %get3A_573 = arith.constant 16 : index
          %get3A_574 = tpu.vector_load %arg5[%get3A_572, %get3A_573] {strides = array<i32>} : memref<3x80xi32, #tpu.memory_space<vmem>>, vector<1x16xi32>,
          %get3A_575 = vector.shape_cast %get3A_574 : vector<1x16xi32> to vector<16xi32>
          %and3A_576 = arith.constant 65535 : i32
          %and3A_577 = vector.broadcast %and3A_576 : i32 to vector<16xi32>
          %and3A_578 = arith.andi %get3A_575, %and3A_577 : vector<16xi32>
          %swap3A_579 = arith.constant 2 : i32
          %swap3A_580 = arith.index_cast %swap3A_579 : i32 to index
          %swap3A_581 = arith.constant 16 : index
          %swap3A_582 = tpu.vector_load %arg6[%swap3A_580, %swap3A_581] {strides = array<i32>} : memref<3x80xi32, #tpu.memory_space<vmem>>, vector<1x16xi32>,
          %swap3A_583 = vector.shape_cast %swap3A_582 : vector<1x16xi32> to vector<16xi32>
          %swap3A_584 = vector.shape_cast %and3A_578 : vector<16xi32> to vector<1x16xi32>
          tpu.vector_store %arg6[%swap3A_580, %swap3A_581], %swap3A_584 {strides = array<i32>} : memref<3x80xi32, #tpu.memory_space<vmem>>, vector<1x16xi32>,
          %shift_right_logical3A_585 = arith.constant 16 : i32
          %shift_right_logical3A_586 = vector.broadcast %shift_right_logical3A_585 : i32 to vector<16xi32>
          %shift_right_logical3A_587 = arith.shrui %get3A_575, %shift_right_logical3A_586 : vector<16xi32>
          %swap3A_588 = arith.constant 2 : i32
          %swap3A_589 = arith.index_cast %swap3A_588 : i32 to index
          %swap3A_590 = arith.constant 16 : index
          %swap3A_591 = tpu.vector_load %arg7[%swap3A_589, %swap3A_590] {strides = array<i32>} : memref<3x80xi32, #tpu.memory_space<vmem>>, vector<1x16xi32>,
          %swap3A_592 = vector.shape_cast %swap3A_591 : vector<1x16xi32> to vector<16xi32>
          %swap3A_593 = vector.shape_cast %shift_right_logical3A_587 : vector<16xi32> to vector<1x16xi32>
          tpu.vector_store %arg7[%swap3A_589, %swap3A_590], %swap3A_593 {strides = array<i32>} : memref<3x80xi32, #tpu.memory_space<vmem>>, vector<1x16xi32>,
          %get3A_594 = arith.constant 2 : i32
          %get3A_595 = arith.index_cast %get3A_594 : i32 to index
          %get3A_596 = arith.constant 32 : index
          %get3A_597 = tpu.vector_load %arg5[%get3A_595, %get3A_596] {strides = array<i32>} : memref<3x80xi32, #tpu.memory_space<vmem>>, vector<1x16xi32>,
          %get3A_598 = vector.shape_cast %get3A_597 : vector<1x16xi32> to vector<16xi32>
          %and3A_599 = arith.constant 65535 : i32
          %and3A_600 = vector.broadcast %and3A_599 : i32 to vector<16xi32>
          %and3A_601 = arith.andi %get3A_598, %and3A_600 : vector<16xi32>
          %swap3A_602 = arith.constant 2 : i32
          %swap3A_603 = arith.index_cast %swap3A_602 : i32 to index
          %swap3A_604 = arith.constant 32 : index
          %swap3A_605 = tpu.vector_load %arg6[%swap3A_603, %swap3A_604] {strides = array<i32>} : memref<3x80xi32, #tpu.memory_space<vmem>>, vector<1x16xi32>,
          %swap3A_606 = vector.shape_cast %swap3A_605 : vector<1x16xi32> to vector<16xi32>
          %swap3A_607 = vector.shape_cast %and3A_601 : vector<16xi32> to vector<1x16xi32>
          tpu.vector_store %arg6[%swap3A_603, %swap3A_604], %swap3A_607 {strides = array<i32>} : memref<3x80xi32, #tpu.memory_space<vmem>>, vector<1x16xi32>,
          %shift_right_logical3A_608 = arith.constant 16 : i32
          %shift_right_logical3A_609 = vector.broadcast %shift_right_logical3A_608 : i32 to vector<16xi32>
          %shift_right_logical3A_610 = arith.shrui %get3A_598, %shift_right_logical3A_609 : vector<16xi32>
          %swap3A_611 = arith.constant 2 : i32
          %swap3A_612 = arith.index_cast %swap3A_611 : i32 to index
          %swap3A_613 = arith.constant 32 : index
          %swap3A_614 = tpu.vector_load %arg7[%swap3A_612, %swap3A_613] {strides = array<i32>} : memref<3x80xi32, #tpu.memory_space<vmem>>, vector<1x16xi32>,
          %swap3A_615 = vector.shape_cast %swap3A_614 : vector<1x16xi32> to vector<16xi32>
          %swap3A_616 = vector.shape_cast %shift_right_logical3A_610 : vector<16xi32> to vector<1x16xi32>
          tpu.vector_store %arg7[%swap3A_612, %swap3A_613], %swap3A_616 {strides = array<i32>} : memref<3x80xi32, #tpu.memory_space<vmem>>, vector<1x16xi32>,
          %get3A_617 = arith.constant 2 : i32
          %get3A_618 = arith.index_cast %get3A_617 : i32 to index
          %get3A_619 = arith.constant 48 : index
          %get3A_620 = tpu.vector_load %arg5[%get3A_618, %get3A_619] {strides = array<i32>} : memref<3x80xi32, #tpu.memory_space<vmem>>, vector<1x16xi32>,
          %get3A_621 = vector.shape_cast %get3A_620 : vector<1x16xi32> to vector<16xi32>
          %and3A_622 = arith.constant 65535 : i32
          %and3A_623 = vector.broadcast %and3A_622 : i32 to vector<16xi32>
          %and3A_624 = arith.andi %get3A_621, %and3A_623 : vector<16xi32>
          %swap3A_625 = arith.constant 2 : i32
          %swap3A_626 = arith.index_cast %swap3A_625 : i32 to index
          %swap3A_627 = arith.constant 48 : index
          %swap3A_628 = tpu.vector_load %arg6[%swap3A_626, %swap3A_627] {strides = array<i32>} : memref<3x80xi32, #tpu.memory_space<vmem>>, vector<1x16xi32>,
          %swap3A_629 = vector.shape_cast %swap3A_628 : vector<1x16xi32> to vector<16xi32>
          %swap3A_630 = vector.shape_cast %and3A_624 : vector<16xi32> to vector<1x16xi32>
          tpu.vector_store %arg6[%swap3A_626, %swap3A_627], %swap3A_630 {strides = array<i32>} : memref<3x80xi32, #tpu.memory_space<vmem>>, vector<1x16xi32>,
          %shift_right_logical3A_631 = arith.constant 16 : i32
          %shift_right_logical3A_632 = vector.broadcast %shift_right_logical3A_631 : i32 to vector<16xi32>
          %shift_right_logical3A_633 = arith.shrui %get3A_621, %shift_right_logical3A_632 : vector<16xi32>
          %swap3A_634 = arith.constant 2 : i32
          %swap3A_635 = arith.index_cast %swap3A_634 : i32 to index
          %swap3A_636 = arith.constant 48 : index
          %swap3A_637 = tpu.vector_load %arg7[%swap3A_635, %swap3A_636] {strides = array<i32>} : memref<3x80xi32, #tpu.memory_space<vmem>>, vector<1x16xi32>,
          %swap3A_638 = vector.shape_cast %swap3A_637 : vector<1x16xi32> to vector<16xi32>
          %swap3A_639 = vector.shape_cast %shift_right_logical3A_633 : vector<16xi32> to vector<1x16xi32>
          tpu.vector_store %arg7[%swap3A_635, %swap3A_636], %swap3A_639 {strides = array<i32>} : memref<3x80xi32, #tpu.memory_space<vmem>>, vector<1x16xi32>,
          %get3A_640 = arith.constant 2 : i32
          %get3A_641 = arith.index_cast %get3A_640 : i32 to index
          %get3A_642 = arith.constant 64 : index
          %get3A_643 = tpu.vector_load %arg5[%get3A_641, %get3A_642] {strides = array<i32>} : memref<3x80xi32, #tpu.memory_space<vmem>>, vector<1x16xi32>,
          %get3A_644 = vector.shape_cast %get3A_643 : vector<1x16xi32> to vector<16xi32>
          %and3A_645 = arith.constant 65535 : i32
          %and3A_646 = vector.broadcast %and3A_645 : i32 to vector<16xi32>
          %and3A_647 = arith.andi %get3A_644, %and3A_646 : vector<16xi32>
          %swap3A_648 = arith.constant 2 : i32
          %swap3A_649 = arith.index_cast %swap3A_648 : i32 to index
          %swap3A_650 = arith.constant 64 : index
          %swap3A_651 = tpu.vector_load %arg6[%swap3A_649, %swap3A_650] {strides = array<i32>} : memref<3x80xi32, #tpu.memory_space<vmem>>, vector<1x16xi32>,
          %swap3A_652 = vector.shape_cast %swap3A_651 : vector<1x16xi32> to vector<16xi32>
          %swap3A_653 = vector.shape_cast %and3A_647 : vector<16xi32> to vector<1x16xi32>
          tpu.vector_store %arg6[%swap3A_649, %swap3A_650], %swap3A_653 {strides = array<i32>} : memref<3x80xi32, #tpu.memory_space<vmem>>, vector<1x16xi32>,
          %shift_right_logical3A_654 = arith.constant 16 : i32
          %shift_right_logical3A_655 = vector.broadcast %shift_right_logical3A_654 : i32 to vector<16xi32>
          %shift_right_logical3A_656 = arith.shrui %get3A_644, %shift_right_logical3A_655 : vector<16xi32>
          %swap3A_657 = arith.constant 2 : i32
          %swap3A_658 = arith.index_cast %swap3A_657 : i32 to index
          %swap3A_659 = arith.constant 64 : index
          %swap3A_660 = tpu.vector_load %arg7[%swap3A_658, %swap3A_659] {strides = array<i32>} : memref<3x80xi32, #tpu.memory_space<vmem>>, vector<1x16xi32>,
          %swap3A_661 = vector.shape_cast %swap3A_660 : vector<1x16xi32> to vector<16xi32>
          %swap3A_662 = vector.shape_cast %shift_right_logical3A_656 : vector<16xi32> to vector<1x16xi32>
          tpu.vector_store %arg7[%swap3A_658, %swap3A_659], %swap3A_662 {strides = array<i32>} : memref<3x80xi32, #tpu.memory_space<vmem>>, vector<1x16xi32>,
          %dma_start3A_663 = arith.constant 2 : i32
          %dma_start3A_664 = arith.constant 2 : i32
          %dma_start3A_665 = arith.constant 2 : i32
          %dma_start3A_666 = arith.constant 0 : i32
          %dma_start3A_667 = arith.constant 0 : i32
          %dma_start3A_668 = tpu.memref_slice %arg8[%dma_start3A_664, %dma_start3A_666, %dma_start3A_667] : memref<3x80x128xf32, #tpu.memory_space<vmem>> -> memref<1x80x128xf32, #tpu.memory_space<vmem>>
          %dma_start3A_669 = tpu.memref_squeeze %dma_start3A_668 : memref<1x80x128xf32, #tpu.memory_space<vmem>> -> memref<80x128xf32, #tpu.memory_space<vmem>>
          %dma_start3A_670 = arith.constant 0 : i32
          %dma_start3A_671 = tpu.memref_slice %arg6[%dma_start3A_663, %dma_start3A_670] : memref<3x80xi32, #tpu.memory_space<vmem>> -> memref<1x80xi32, #tpu.memory_space<vmem>>
          %dma_start3A_672 = tpu.memref_squeeze %dma_start3A_671 : memref<1x80xi32, #tpu.memory_space<vmem>> -> memref<80xi32, #tpu.memory_space<vmem>>
          %dma_start3A_673 = arith.constant 0 : i32
          %dma_start3A_674 = arith.constant 0 : i32
          %dma_start3A_675 = tpu.memref_slice %arg2[%dma_start3A_673, %dma_start3A_674] : memref<10000x128xf32, #tpu.memory_space<hbm>> -> memref<10000x128xf32, #tpu.memory_space<hbm>>
          %dma_start3A_676 = tpu.memref_slice %arg10[%dma_start3A_665] : memref<3x!tpu.dma_semaphore, #tpu.memory_space<semaphore_mem>> -> memref<1x!tpu.dma_semaphore, #tpu.memory_space<semaphore_mem>>
          %dma_start3A_677 = tpu.memref_squeeze %dma_start3A_676 : memref<1x!tpu.dma_semaphore, #tpu.memory_space<semaphore_mem>> -> memref<!tpu.dma_semaphore, #tpu.memory_space<semaphore_mem>>
          tpu.enqueue_indirect_dma source(%dma_start3A_675 : memref<10000x128xf32, #tpu.memory_space<hbm>>) target(%dma_start3A_669 : memref<80x128xf32, #tpu.memory_space<vmem>>) offsets(%dma_start3A_672 : memref<80xi32, #tpu.memory_space<vmem>>) semaphore(%dma_start3A_677 : memref<!tpu.dma_semaphore, #tpu.memory_space<semaphore_mem>>)
        } else {
        }
        %add3A_485 = arith.constant 3 : i32
        %add3A_486 = arith.addi %add3A_453, %add3A_485 : i32
        %lt3A_487 = arith.constant 125 : i32
        %lt3A_488 = arith.cmpi slt, %add3A_486, %lt3A_487 : i32
        %convert_element_type3A_489 = arith.extui %lt3A_488 : i1 to i32
        %cond3A_490 = arith.constant 0 : i32
        %cond3A_491 = arith.cmpi ne, %convert_element_type3A_489, %cond3A_490 : i32
        scf.if %cond3A_491 {
          %add3A_522 = arith.constant 3 : i32
          %add3A_523 = arith.addi %add3A_453, %add3A_522 : i32
          %dma_start3A_524 = arith.constant 0 : i32
          %dma_start3A_525 = arith.constant 0 : i32
          %dma_start3A_526 = arith.constant 0 : i32
          %dma_start3A_527 = tpu.memref_slice %arg5[%dma_start3A_524, %dma_start3A_526] : memref<3x80xi32, #tpu.memory_space<vmem>> -> memref<1x80xi32, #tpu.memory_space<vmem>>
          %dma_start3A_528 = tpu.memref_squeeze %dma_start3A_527 : memref<1x80xi32, #tpu.memory_space<vmem>> -> memref<80xi32, #tpu.memory_space<vmem>>
          %dma_start3A_529 = arith.constant 0 : i32
          %dma_start3A_530 = arith.constant 0 : i32
          %dma_start3A_531 = tpu.memref_slice %arg3[%add3A, %dma_start3A_529, %dma_start3A_530] : memref<32x125x80xi32, #tpu.memory_space<hbm>> -> memref<1x125x80xi32, #tpu.memory_space<hbm>>
          %dma_start3A_532 = tpu.memref_squeeze %dma_start3A_531 : memref<1x125x80xi32, #tpu.memory_space<hbm>> -> memref<125x80xi32, #tpu.memory_space<hbm>>
          %dma_start3A_533 = arith.constant 0 : i32
          %dma_start3A_534 = tpu.memref_slice %dma_start3A_532[%add3A_523, %dma_start3A_533] : memref<125x80xi32, #tpu.memory_space<hbm>> -> memref<1x80xi32, #tpu.memory_space<hbm>>
          %dma_start3A_535 = tpu.memref_squeeze %dma_start3A_534 : memref<1x80xi32, #tpu.memory_space<hbm>> -> memref<80xi32, #tpu.memory_space<hbm>>
          %dma_start3A_536 = tpu.memref_slice %arg12[%dma_start3A_525] : memref<3x!tpu.dma_semaphore, #tpu.memory_space<semaphore_mem>> -> memref<1x!tpu.dma_semaphore, #tpu.memory_space<semaphore_mem>>
          %dma_start3A_537 = tpu.memref_squeeze %dma_start3A_536 : memref<1x!tpu.dma_semaphore, #tpu.memory_space<semaphore_mem>> -> memref<!tpu.dma_semaphore, #tpu.memory_space<semaphore_mem>>
          %dma_start3A_538 = arith.constant 0 : i32
          %dma_start3A_539 = tpu.memref_slice %arg5[%dma_start3A_524, %dma_start3A_538] : memref<3x80xi32, #tpu.memory_space<vmem>> -> memref<1x80xi32, #tpu.memory_space<vmem>>
          %dma_start3A_540 = tpu.memref_squeeze %dma_start3A_539 : memref<1x80xi32, #tpu.memory_space<vmem>> -> memref<80xi32, #tpu.memory_space<vmem>>
          %dma_start3A_541 = arith.constant 0 : i32
          %dma_start3A_542 = arith.constant 0 : i32
          %dma_start3A_543 = tpu.memref_slice %arg3[%add3A, %dma_start3A_541, %dma_start3A_542] : memref<32x125x80xi32, #tpu.memory_space<hbm>> -> memref<1x125x80xi32, #tpu.memory_space<hbm>>
          %dma_start3A_544 = tpu.memref_squeeze %dma_start3A_543 : memref<1x125x80xi32, #tpu.memory_space<hbm>> -> memref<125x80xi32, #tpu.memory_space<hbm>>
          %dma_start3A_545 = arith.constant 0 : i32
          %dma_start3A_546 = tpu.memref_slice %dma_start3A_544[%add3A_523, %dma_start3A_545] : memref<125x80xi32, #tpu.memory_space<hbm>> -> memref<1x80xi32, #tpu.memory_space<hbm>>
          %dma_start3A_547 = tpu.memref_squeeze %dma_start3A_546 : memref<1x80xi32, #tpu.memory_space<hbm>> -> memref<80xi32, #tpu.memory_space<hbm>>
          tpu.enqueue_dma source(%dma_start3A_547 : memref<80xi32, #tpu.memory_space<hbm>>) target(%dma_start3A_540 : memref<80xi32, #tpu.memory_space<vmem>>) target_semaphore(%dma_start3A_537 : memref<!tpu.dma_semaphore, #tpu.memory_space<semaphore_mem>>)
        } else {
        }
        %dma_wait3A_492 = arith.constant 0 : i32
        %dma_wait3A_493 = arith.constant 0 : i32
        %dma_wait3A_494 = arith.constant 0 : i32
        %dma_wait3A_495 = arith.constant 0 : i32
        %dma_wait3A_496 = arith.constant 0 : i32
        %dma_wait3A_497 = tpu.memref_slice %arg8[%dma_wait3A_493, %dma_wait3A_495, %dma_wait3A_496] : memref<3x80x128xf32, #tpu.memory_space<vmem>> -> memref<1x80x128xf32, #tpu.memory_space<vmem>>
        %dma_wait3A_498 = tpu.memref_squeeze %dma_wait3A_497 : memref<1x80x128xf32, #tpu.memory_space<vmem>> -> memref<80x128xf32, #tpu.memory_space<vmem>>
        %dma_wait3A_499 = arith.constant 0 : i32
        %dma_wait3A_500 = tpu.memref_slice %arg6[%dma_wait3A_492, %dma_wait3A_499] : memref<3x80xi32, #tpu.memory_space<vmem>> -> memref<1x80xi32, #tpu.memory_space<vmem>>
        %dma_wait3A_501 = tpu.memref_squeeze %dma_wait3A_500 : memref<1x80xi32, #tpu.memory_space<vmem>> -> memref<80xi32, #tpu.memory_space<vmem>>
        %dma_wait3A_502 = arith.constant 0 : i32
        %dma_wait3A_503 = arith.constant 0 : i32
        %dma_wait3A_504 = tpu.memref_slice %arg2[%dma_wait3A_502, %dma_wait3A_503] : memref<10000x128xf32, #tpu.memory_space<hbm>> -> memref<10000x128xf32, #tpu.memory_space<hbm>>
        %dma_wait3A_505 = tpu.memref_slice %arg10[%dma_wait3A_494] : memref<3x!tpu.dma_semaphore, #tpu.memory_space<semaphore_mem>> -> memref<1x!tpu.dma_semaphore, #tpu.memory_space<semaphore_mem>>
        %dma_wait3A_506 = tpu.memref_squeeze %dma_wait3A_505 : memref<1x!tpu.dma_semaphore, #tpu.memory_space<semaphore_mem>> -> memref<!tpu.dma_semaphore, #tpu.memory_space<semaphore_mem>>
        tpu.wait_indirect_dma semaphore(%dma_wait3A_506 : memref<!tpu.dma_semaphore, #tpu.memory_space<semaphore_mem>>) src(%dma_wait3A_504 : memref<10000x128xf32, #tpu.memory_space<hbm>>) dst(%dma_wait3A_498 : memref<80x128xf32, #tpu.memory_space<vmem>>)
        %dma_start3A_507 = arith.constant 0 : i32
        %dma_start3A_508 = arith.constant 0 : i32
        %dma_start3A_509 = arith.constant 0 : i32
        %dma_start3A_510 = arith.constant 0 : i32
        %dma_start3A_511 = arith.constant 0 : i32
        %dma_start3A_512 = tpu.memref_slice %arg8[%dma_start3A_507, %dma_start3A_510, %dma_start3A_511] : memref<3x80x128xf32, #tpu.memory_space<vmem>> -> memref<1x80x128xf32, #tpu.memory_space<vmem>>
        %dma_start3A_513 = tpu.memref_squeeze %dma_start3A_512 : memref<1x80x128xf32, #tpu.memory_space<vmem>> -> memref<80x128xf32, #tpu.memory_space<vmem>>
        %dma_start3A_514 = arith.constant 0 : i32
        %dma_start3A_515 = tpu.memref_slice %arg7[%dma_start3A_508, %dma_start3A_514] : memref<3x80xi32, #tpu.memory_space<vmem>> -> memref<1x80xi32, #tpu.memory_space<vmem>>
        %dma_start3A_516 = tpu.memref_squeeze %dma_start3A_515 : memref<1x80xi32, #tpu.memory_space<vmem>> -> memref<80xi32, #tpu.memory_space<vmem>>
        %dma_start3A_517 = arith.constant 0 : i32
        %dma_start3A_518 = arith.constant 0 : i32
        %dma_start3A_519 = tpu.memref_slice %arg9[%dma_start3A_517, %dma_start3A_518] : memref<10240x128xf32, #tpu.memory_space<vmem_shared>> -> memref<10240x128xf32, #tpu.memory_space<vmem_shared>>
        %dma_start3A_520 = tpu.memref_slice %arg11[%dma_start3A_509] : memref<3x!tpu.dma_semaphore, #tpu.memory_space<semaphore_mem>> -> memref<1x!tpu.dma_semaphore, #tpu.memory_space<semaphore_mem>>
        %dma_start3A_521 = tpu.memref_squeeze %dma_start3A_520 : memref<1x!tpu.dma_semaphore, #tpu.memory_space<semaphore_mem>> -> memref<!tpu.dma_semaphore, #tpu.memory_space<semaphore_mem>>
        tpu.enqueue_indirect_dma source(%dma_start3A_513 : memref<80x128xf32, #tpu.memory_space<vmem>>) target(%dma_start3A_519 : memref<10240x128xf32, #tpu.memory_space<vmem_shared>>) offsets(%dma_start3A_516 : memref<80xi32, #tpu.memory_space<vmem>>) semaphore(%dma_start3A_521 : memref<!tpu.dma_semaphore, #tpu.memory_space<semaphore_mem>>) {add = true}
      } else {
      }
      %mul3A_456 = arith.constant 3 : i32
      %mul3A_457 = arith.muli %mul3A_456, %scan3A_449 : i32
      %add3A_458 = arith.constant 1 : i32
      %add3A_459 = arith.addi %mul3A_457, %add3A_458 : i32
      %lt3A_460 = arith.constant 125 : i32
      %lt3A_461 = arith.cmpi slt, %add3A_459, %lt3A_460 : i32
      %convert_element_type3A_462 = arith.extui %lt3A_461 : i1 to i32
      %cond3A_463 = arith.constant 0 : i32
      %cond3A_464 = arith.cmpi ne, %convert_element_type3A_462, %cond3A_463 : i32
      scf.if %cond3A_464 {
        %ge3A = arith.constant 1 : i32
        %ge3A_474 = arith.cmpi sge, %add3A_459, %ge3A : i32
        %convert_element_type3A_475 = arith.extui %ge3A_474 : i1 to i32
        %cond3A_476 = arith.constant 0 : i32
        %cond3A_477 = arith.cmpi ne, %convert_element_type3A_475, %cond3A_476 : i32
        scf.if %cond3A_477 {
          %dma_wait3A_522 = arith.constant 0 : i32
          %dma_wait3A_523 = arith.constant 0 : i32
          %dma_wait3A_524 = arith.constant 0 : i32
          %dma_wait3A_525 = arith.constant 0 : i32
          %dma_wait3A_526 = arith.constant 0 : i32
          %dma_wait3A_527 = tpu.memref_slice %arg8[%dma_wait3A_522, %dma_wait3A_525, %dma_wait3A_526] : memref<3x80x128xf32, #tpu.memory_space<vmem>> -> memref<1x80x128xf32, #tpu.memory_space<vmem>>
          %dma_wait3A_528 = tpu.memref_squeeze %dma_wait3A_527 : memref<1x80x128xf32, #tpu.memory_space<vmem>> -> memref<80x128xf32, #tpu.memory_space<vmem>>
          %dma_wait3A_529 = arith.constant 0 : i32
          %dma_wait3A_530 = tpu.memref_slice %arg7[%dma_wait3A_523, %dma_wait3A_529] : memref<3x80xi32, #tpu.memory_space<vmem>> -> memref<1x80xi32, #tpu.memory_space<vmem>>
          %dma_wait3A_531 = tpu.memref_squeeze %dma_wait3A_530 : memref<1x80xi32, #tpu.memory_space<vmem>> -> memref<80xi32, #tpu.memory_space<vmem>>
          %dma_wait3A_532 = arith.constant 0 : i32
          %dma_wait3A_533 = arith.constant 0 : i32
          %dma_wait3A_534 = tpu.memref_slice %arg9[%dma_wait3A_532, %dma_wait3A_533] : memref<10240x128xf32, #tpu.memory_space<vmem_shared>> -> memref<10240x128xf32, #tpu.memory_space<vmem_shared>>
          %dma_wait3A_535 = tpu.memref_slice %arg11[%dma_wait3A_524] : memref<3x!tpu.dma_semaphore, #tpu.memory_space<semaphore_mem>> -> memref<1x!tpu.dma_semaphore, #tpu.memory_space<semaphore_mem>>
          %dma_wait3A_536 = tpu.memref_squeeze %dma_wait3A_535 : memref<1x!tpu.dma_semaphore, #tpu.memory_space<semaphore_mem>> -> memref<!tpu.dma_semaphore, #tpu.memory_space<semaphore_mem>>
          tpu.wait_indirect_dma semaphore(%dma_wait3A_536 : memref<!tpu.dma_semaphore, #tpu.memory_space<semaphore_mem>>) src(%dma_wait3A_528 : memref<80x128xf32, #tpu.memory_space<vmem>>) dst(%dma_wait3A_534 : memref<10240x128xf32, #tpu.memory_space<vmem_shared>>)
        } else {
        }
        %add3A_478 = arith.constant 2 : i32
        %add3A_479 = arith.addi %add3A_459, %add3A_478 : i32
        %lt3A_480 = arith.constant 125 : i32
        %lt3A_481 = arith.cmpi slt, %add3A_479, %lt3A_480 : i32
        %convert_element_type3A_482 = arith.extui %lt3A_481 : i1 to i32
        %cond3A_483 = arith.constant 0 : i32
        %cond3A_484 = arith.cmpi ne, %convert_element_type3A_482, %cond3A_483 : i32
        scf.if %cond3A_484 {
          %add3A_522 = arith.constant 2 : i32
          %add3A_523 = arith.addi %add3A_459, %add3A_522 : i32
          %dma_wait3A_524 = arith.constant 0 : i32
          %dma_wait3A_525 = arith.constant 0 : i32
          %dma_wait3A_526 = arith.constant 0 : i32
          %dma_wait3A_527 = tpu.memref_slice %arg5[%dma_wait3A_524, %dma_wait3A_526] : memref<3x80xi32, #tpu.memory_space<vmem>> -> memref<1x80xi32, #tpu.memory_space<vmem>>
          %dma_wait3A_528 = tpu.memref_squeeze %dma_wait3A_527 : memref<1x80xi32, #tpu.memory_space<vmem>> -> memref<80xi32, #tpu.memory_space<vmem>>
          %dma_wait3A_529 = arith.constant 0 : i32
          %dma_wait3A_530 = arith.constant 0 : i32
          %dma_wait3A_531 = tpu.memref_slice %arg3[%add3A, %dma_wait3A_529, %dma_wait3A_530] : memref<32x125x80xi32, #tpu.memory_space<hbm>> -> memref<1x125x80xi32, #tpu.memory_space<hbm>>
          %dma_wait3A_532 = tpu.memref_squeeze %dma_wait3A_531 : memref<1x125x80xi32, #tpu.memory_space<hbm>> -> memref<125x80xi32, #tpu.memory_space<hbm>>
          %dma_wait3A_533 = arith.constant 0 : i32
          %dma_wait3A_534 = tpu.memref_slice %dma_wait3A_532[%add3A_523, %dma_wait3A_533] : memref<125x80xi32, #tpu.memory_space<hbm>> -> memref<1x80xi32, #tpu.memory_space<hbm>>
          %dma_wait3A_535 = tpu.memref_squeeze %dma_wait3A_534 : memref<1x80xi32, #tpu.memory_space<hbm>> -> memref<80xi32, #tpu.memory_space<hbm>>
          %dma_wait3A_536 = tpu.memref_slice %arg12[%dma_wait3A_525] : memref<3x!tpu.dma_semaphore, #tpu.memory_space<semaphore_mem>> -> memref<1x!tpu.dma_semaphore, #tpu.memory_space<semaphore_mem>>
          %dma_wait3A_537 = tpu.memref_squeeze %dma_wait3A_536 : memref<1x!tpu.dma_semaphore, #tpu.memory_space<semaphore_mem>> -> memref<!tpu.dma_semaphore, #tpu.memory_space<semaphore_mem>>
          %dma_wait3A_538 = arith.constant 0 : i32
          %dma_wait3A_539 = tpu.memref_slice %arg5[%dma_wait3A_524, %dma_wait3A_538] : memref<3x80xi32, #tpu.memory_space<vmem>> -> memref<1x80xi32, #tpu.memory_space<vmem>>
          %dma_wait3A_540 = tpu.memref_squeeze %dma_wait3A_539 : memref<1x80xi32, #tpu.memory_space<vmem>> -> memref<80xi32, #tpu.memory_space<vmem>>
          %dma_wait3A_541 = arith.constant 0 : i32
          %dma_wait3A_542 = arith.constant 0 : i32
          %dma_wait3A_543 = tpu.memref_slice %arg3[%add3A, %dma_wait3A_541, %dma_wait3A_542] : memref<32x125x80xi32, #tpu.memory_space<hbm>> -> memref<1x125x80xi32, #tpu.memory_space<hbm>>
          %dma_wait3A_544 = tpu.memref_squeeze %dma_wait3A_543 : memref<1x125x80xi32, #tpu.memory_space<hbm>> -> memref<125x80xi32, #tpu.memory_space<hbm>>
          %dma_wait3A_545 = arith.constant 0 : i32
          %dma_wait3A_546 = tpu.memref_slice %dma_wait3A_544[%add3A_523, %dma_wait3A_545] : memref<125x80xi32, #tpu.memory_space<hbm>> -> memref<1x80xi32, #tpu.memory_space<hbm>>
          %dma_wait3A_547 = tpu.memref_squeeze %dma_wait3A_546 : memref<1x80xi32, #tpu.memory_space<hbm>> -> memref<80xi32, #tpu.memory_space<hbm>>
          tpu.wait_dma2 semaphore(%dma_wait3A_537 : memref<!tpu.dma_semaphore, #tpu.memory_space<semaphore_mem>>) src(%dma_wait3A_547 : memref<80xi32, #tpu.memory_space<hbm>>) dst(%dma_wait3A_540 : memref<80xi32, #tpu.memory_space<vmem>>)
          %get3A_548 = arith.constant 0 : i32
          %get3A_549 = arith.index_cast %get3A_548 : i32 to index
          %get3A_550 = arith.constant 0 : index
          %get3A_551 = tpu.vector_load %arg5[%get3A_549, %get3A_550] {strides = array<i32>} : memref<3x80xi32, #tpu.memory_space<vmem>>, vector<1x16xi32>,
          %get3A_552 = vector.shape_cast %get3A_551 : vector<1x16xi32> to vector<16xi32>
          %and3A_553 = arith.constant 65535 : i32
          %and3A_554 = vector.broadcast %and3A_553 : i32 to vector<16xi32>
          %and3A_555 = arith.andi %get3A_552, %and3A_554 : vector<16xi32>
          %swap3A_556 = arith.constant 0 : i32
          %swap3A_557 = arith.index_cast %swap3A_556 : i32 to index
          %swap3A_558 = arith.constant 0 : index
          %swap3A_559 = tpu.vector_load %arg6[%swap3A_557, %swap3A_558] {strides = array<i32>} : memref<3x80xi32, #tpu.memory_space<vmem>>, vector<1x16xi32>,
          %swap3A_560 = vector.shape_cast %swap3A_559 : vector<1x16xi32> to vector<16xi32>
          %swap3A_561 = vector.shape_cast %and3A_555 : vector<16xi32> to vector<1x16xi32>
          tpu.vector_store %arg6[%swap3A_557, %swap3A_558], %swap3A_561 {strides = array<i32>} : memref<3x80xi32, #tpu.memory_space<vmem>>, vector<1x16xi32>,
          %shift_right_logical3A_562 = arith.constant 16 : i32
          %shift_right_logical3A_563 = vector.broadcast %shift_right_logical3A_562 : i32 to vector<16xi32>
          %shift_right_logical3A_564 = arith.shrui %get3A_552, %shift_right_logical3A_563 : vector<16xi32>
          %swap3A_565 = arith.constant 0 : i32
          %swap3A_566 = arith.index_cast %swap3A_565 : i32 to index
          %swap3A_567 = arith.constant 0 : index
          %swap3A_568 = tpu.vector_load %arg7[%swap3A_566, %swap3A_567] {strides = array<i32>} : memref<3x80xi32, #tpu.memory_space<vmem>>, vector<1x16xi32>,
          %swap3A_569 = vector.shape_cast %swap3A_568 : vector<1x16xi32> to vector<16xi32>
          %swap3A_570 = vector.shape_cast %shift_right_logical3A_564 : vector<16xi32> to vector<1x16xi32>
          tpu.vector_store %arg7[%swap3A_566, %swap3A_567], %swap3A_570 {strides = array<i32>} : memref<3x80xi32, #tpu.memory_space<vmem>>, vector<1x16xi32>,
          %get3A_571 = arith.constant 0 : i32
          %get3A_572 = arith.index_cast %get3A_571 : i32 to index
          %get3A_573 = arith.constant 16 : index
          %get3A_574 = tpu.vector_load %arg5[%get3A_572, %get3A_573] {strides = array<i32>} : memref<3x80xi32, #tpu.memory_space<vmem>>, vector<1x16xi32>,
          %get3A_575 = vector.shape_cast %get3A_574 : vector<1x16xi32> to vector<16xi32>
          %and3A_576 = arith.constant 65535 : i32
          %and3A_577 = vector.broadcast %and3A_576 : i32 to vector<16xi32>
          %and3A_578 = arith.andi %get3A_575, %and3A_577 : vector<16xi32>
          %swap3A_579 = arith.constant 0 : i32
          %swap3A_580 = arith.index_cast %swap3A_579 : i32 to index
          %swap3A_581 = arith.constant 16 : index
          %swap3A_582 = tpu.vector_load %arg6[%swap3A_580, %swap3A_581] {strides = array<i32>} : memref<3x80xi32, #tpu.memory_space<vmem>>, vector<1x16xi32>,
          %swap3A_583 = vector.shape_cast %swap3A_582 : vector<1x16xi32> to vector<16xi32>
          %swap3A_584 = vector.shape_cast %and3A_578 : vector<16xi32> to vector<1x16xi32>
          tpu.vector_store %arg6[%swap3A_580, %swap3A_581], %swap3A_584 {strides = array<i32>} : memref<3x80xi32, #tpu.memory_space<vmem>>, vector<1x16xi32>,
          %shift_right_logical3A_585 = arith.constant 16 : i32
          %shift_right_logical3A_586 = vector.broadcast %shift_right_logical3A_585 : i32 to vector<16xi32>
          %shift_right_logical3A_587 = arith.shrui %get3A_575, %shift_right_logical3A_586 : vector<16xi32>
          %swap3A_588 = arith.constant 0 : i32
          %swap3A_589 = arith.index_cast %swap3A_588 : i32 to index
          %swap3A_590 = arith.constant 16 : index
          %swap3A_591 = tpu.vector_load %arg7[%swap3A_589, %swap3A_590] {strides = array<i32>} : memref<3x80xi32, #tpu.memory_space<vmem>>, vector<1x16xi32>,
          %swap3A_592 = vector.shape_cast %swap3A_591 : vector<1x16xi32> to vector<16xi32>
          %swap3A_593 = vector.shape_cast %shift_right_logical3A_587 : vector<16xi32> to vector<1x16xi32>
          tpu.vector_store %arg7[%swap3A_589, %swap3A_590], %swap3A_593 {strides = array<i32>} : memref<3x80xi32, #tpu.memory_space<vmem>>, vector<1x16xi32>,
          %get3A_594 = arith.constant 0 : i32
          %get3A_595 = arith.index_cast %get3A_594 : i32 to index
          %get3A_596 = arith.constant 32 : index
          %get3A_597 = tpu.vector_load %arg5[%get3A_595, %get3A_596] {strides = array<i32>} : memref<3x80xi32, #tpu.memory_space<vmem>>, vector<1x16xi32>,
          %get3A_598 = vector.shape_cast %get3A_597 : vector<1x16xi32> to vector<16xi32>
          %and3A_599 = arith.constant 65535 : i32
          %and3A_600 = vector.broadcast %and3A_599 : i32 to vector<16xi32>
          %and3A_601 = arith.andi %get3A_598, %and3A_600 : vector<16xi32>
          %swap3A_602 = arith.constant 0 : i32
          %swap3A_603 = arith.index_cast %swap3A_602 : i32 to index
          %swap3A_604 = arith.constant 32 : index
          %swap3A_605 = tpu.vector_load %arg6[%swap3A_603, %swap3A_604] {strides = array<i32>} : memref<3x80xi32, #tpu.memory_space<vmem>>, vector<1x16xi32>,
          %swap3A_606 = vector.shape_cast %swap3A_605 : vector<1x16xi32> to vector<16xi32>
          %swap3A_607 = vector.shape_cast %and3A_601 : vector<16xi32> to vector<1x16xi32>
          tpu.vector_store %arg6[%swap3A_603, %swap3A_604], %swap3A_607 {strides = array<i32>} : memref<3x80xi32, #tpu.memory_space<vmem>>, vector<1x16xi32>,
          %shift_right_logical3A_608 = arith.constant 16 : i32
          %shift_right_logical3A_609 = vector.broadcast %shift_right_logical3A_608 : i32 to vector<16xi32>
          %shift_right_logical3A_610 = arith.shrui %get3A_598, %shift_right_logical3A_609 : vector<16xi32>
          %swap3A_611 = arith.constant 0 : i32
          %swap3A_612 = arith.index_cast %swap3A_611 : i32 to index
          %swap3A_613 = arith.constant 32 : index
          %swap3A_614 = tpu.vector_load %arg7[%swap3A_612, %swap3A_613] {strides = array<i32>} : memref<3x80xi32, #tpu.memory_space<vmem>>, vector<1x16xi32>,
          %swap3A_615 = vector.shape_cast %swap3A_614 : vector<1x16xi32> to vector<16xi32>
          %swap3A_616 = vector.shape_cast %shift_right_logical3A_610 : vector<16xi32> to vector<1x16xi32>
          tpu.vector_store %arg7[%swap3A_612, %swap3A_613], %swap3A_616 {strides = array<i32>} : memref<3x80xi32, #tpu.memory_space<vmem>>, vector<1x16xi32>,
          %get3A_617 = arith.constant 0 : i32
          %get3A_618 = arith.index_cast %get3A_617 : i32 to index
          %get3A_619 = arith.constant 48 : index
          %get3A_620 = tpu.vector_load %arg5[%get3A_618, %get3A_619] {strides = array<i32>} : memref<3x80xi32, #tpu.memory_space<vmem>>, vector<1x16xi32>,
          %get3A_621 = vector.shape_cast %get3A_620 : vector<1x16xi32> to vector<16xi32>
          %and3A_622 = arith.constant 65535 : i32
          %and3A_623 = vector.broadcast %and3A_622 : i32 to vector<16xi32>
          %and3A_624 = arith.andi %get3A_621, %and3A_623 : vector<16xi32>
          %swap3A_625 = arith.constant 0 : i32
          %swap3A_626 = arith.index_cast %swap3A_625 : i32 to index
          %swap3A_627 = arith.constant 48 : index
          %swap3A_628 = tpu.vector_load %arg6[%swap3A_626, %swap3A_627] {strides = array<i32>} : memref<3x80xi32, #tpu.memory_space<vmem>>, vector<1x16xi32>,
          %swap3A_629 = vector.shape_cast %swap3A_628 : vector<1x16xi32> to vector<16xi32>
          %swap3A_630 = vector.shape_cast %and3A_624 : vector<16xi32> to vector<1x16xi32>
          tpu.vector_store %arg6[%swap3A_626, %swap3A_627], %swap3A_630 {strides = array<i32>} : memref<3x80xi32, #tpu.memory_space<vmem>>, vector<1x16xi32>,
          %shift_right_logical3A_631 = arith.constant 16 : i32
          %shift_right_logical3A_632 = vector.broadcast %shift_right_logical3A_631 : i32 to vector<16xi32>
          %shift_right_logical3A_633 = arith.shrui %get3A_621, %shift_right_logical3A_632 : vector<16xi32>
          %swap3A_634 = arith.constant 0 : i32
          %swap3A_635 = arith.index_cast %swap3A_634 : i32 to index
          %swap3A_636 = arith.constant 48 : index
          %swap3A_637 = tpu.vector_load %arg7[%swap3A_635, %swap3A_636] {strides = array<i32>} : memref<3x80xi32, #tpu.memory_space<vmem>>, vector<1x16xi32>,
          %swap3A_638 = vector.shape_cast %swap3A_637 : vector<1x16xi32> to vector<16xi32>
          %swap3A_639 = vector.shape_cast %shift_right_logical3A_633 : vector<16xi32> to vector<1x16xi32>
          tpu.vector_store %arg7[%swap3A_635, %swap3A_636], %swap3A_639 {strides = array<i32>} : memref<3x80xi32, #tpu.memory_space<vmem>>, vector<1x16xi32>,
          %get3A_640 = arith.constant 0 : i32
          %get3A_641 = arith.index_cast %get3A_640 : i32 to index
          %get3A_642 = arith.constant 64 : index
          %get3A_643 = tpu.vector_load %arg5[%get3A_641, %get3A_642] {strides = array<i32>} : memref<3x80xi32, #tpu.memory_space<vmem>>, vector<1x16xi32>,
          %get3A_644 = vector.shape_cast %get3A_643 : vector<1x16xi32> to vector<16xi32>
          %and3A_645 = arith.constant 65535 : i32
          %and3A_646 = vector.broadcast %and3A_645 : i32 to vector<16xi32>
          %and3A_647 = arith.andi %get3A_644, %and3A_646 : vector<16xi32>
          %swap3A_648 = arith.constant 0 : i32
          %swap3A_649 = arith.index_cast %swap3A_648 : i32 to index
          %swap3A_650 = arith.constant 64 : index
          %swap3A_651 = tpu.vector_load %arg6[%swap3A_649, %swap3A_650] {strides = array<i32>} : memref<3x80xi32, #tpu.memory_space<vmem>>, vector<1x16xi32>,
          %swap3A_652 = vector.shape_cast %swap3A_651 : vector<1x16xi32> to vector<16xi32>
          %swap3A_653 = vector.shape_cast %and3A_647 : vector<16xi32> to vector<1x16xi32>
          tpu.vector_store %arg6[%swap3A_649, %swap3A_650], %swap3A_653 {strides = array<i32>} : memref<3x80xi32, #tpu.memory_space<vmem>>, vector<1x16xi32>,
          %shift_right_logical3A_654 = arith.constant 16 : i32
          %shift_right_logical3A_655 = vector.broadcast %shift_right_logical3A_654 : i32 to vector<16xi32>
          %shift_right_logical3A_656 = arith.shrui %get3A_644, %shift_right_logical3A_655 : vector<16xi32>
          %swap3A_657 = arith.constant 0 : i32
          %swap3A_658 = arith.index_cast %swap3A_657 : i32 to index
          %swap3A_659 = arith.constant 64 : index
          %swap3A_660 = tpu.vector_load %arg7[%swap3A_658, %swap3A_659] {strides = array<i32>} : memref<3x80xi32, #tpu.memory_space<vmem>>, vector<1x16xi32>,
          %swap3A_661 = vector.shape_cast %swap3A_660 : vector<1x16xi32> to vector<16xi32>
          %swap3A_662 = vector.shape_cast %shift_right_logical3A_656 : vector<16xi32> to vector<1x16xi32>
          tpu.vector_store %arg7[%swap3A_658, %swap3A_659], %swap3A_662 {strides = array<i32>} : memref<3x80xi32, #tpu.memory_space<vmem>>, vector<1x16xi32>,
          %dma_start3A_663 = arith.constant 0 : i32
          %dma_start3A_664 = arith.constant 0 : i32
          %dma_start3A_665 = arith.constant 0 : i32
          %dma_start3A_666 = arith.constant 0 : i32
          %dma_start3A_667 = arith.constant 0 : i32
          %dma_start3A_668 = tpu.memref_slice %arg8[%dma_start3A_664, %dma_start3A_666, %dma_start3A_667] : memref<3x80x128xf32, #tpu.memory_space<vmem>> -> memref<1x80x128xf32, #tpu.memory_space<vmem>>
          %dma_start3A_669 = tpu.memref_squeeze %dma_start3A_668 : memref<1x80x128xf32, #tpu.memory_space<vmem>> -> memref<80x128xf32, #tpu.memory_space<vmem>>
          %dma_start3A_670 = arith.constant 0 : i32
          %dma_start3A_671 = tpu.memref_slice %arg6[%dma_start3A_663, %dma_start3A_670] : memref<3x80xi32, #tpu.memory_space<vmem>> -> memref<1x80xi32, #tpu.memory_space<vmem>>
          %dma_start3A_672 = tpu.memref_squeeze %dma_start3A_671 : memref<1x80xi32, #tpu.memory_space<vmem>> -> memref<80xi32, #tpu.memory_space<vmem>>
          %dma_start3A_673 = arith.constant 0 : i32
          %dma_start3A_674 = arith.constant 0 : i32
          %dma_start3A_675 = tpu.memref_slice %arg2[%dma_start3A_673, %dma_start3A_674] : memref<10000x128xf32, #tpu.memory_space<hbm>> -> memref<10000x128xf32, #tpu.memory_space<hbm>>
          %dma_start3A_676 = tpu.memref_slice %arg10[%dma_start3A_665] : memref<3x!tpu.dma_semaphore, #tpu.memory_space<semaphore_mem>> -> memref<1x!tpu.dma_semaphore, #tpu.memory_space<semaphore_mem>>
          %dma_start3A_677 = tpu.memref_squeeze %dma_start3A_676 : memref<1x!tpu.dma_semaphore, #tpu.memory_space<semaphore_mem>> -> memref<!tpu.dma_semaphore, #tpu.memory_space<semaphore_mem>>
          tpu.enqueue_indirect_dma source(%dma_start3A_675 : memref<10000x128xf32, #tpu.memory_space<hbm>>) target(%dma_start3A_669 : memref<80x128xf32, #tpu.memory_space<vmem>>) offsets(%dma_start3A_672 : memref<80xi32, #tpu.memory_space<vmem>>) semaphore(%dma_start3A_677 : memref<!tpu.dma_semaphore, #tpu.memory_space<semaphore_mem>>)
        } else {
        }
        %add3A_485 = arith.constant 3 : i32
        %add3A_486 = arith.addi %add3A_459, %add3A_485 : i32
        %lt3A_487 = arith.constant 125 : i32
        %lt3A_488 = arith.cmpi slt, %add3A_486, %lt3A_487 : i32
        %convert_element_type3A_489 = arith.extui %lt3A_488 : i1 to i32
        %cond3A_490 = arith.constant 0 : i32
        %cond3A_491 = arith.cmpi ne, %convert_element_type3A_489, %cond3A_490 : i32
        scf.if %cond3A_491 {
          %add3A_522 = arith.constant 3 : i32
          %add3A_523 = arith.addi %add3A_459, %add3A_522 : i32
          %dma_start3A_524 = arith.constant 1 : i32
          %dma_start3A_525 = arith.constant 1 : i32
          %dma_start3A_526 = arith.constant 0 : i32
          %dma_start3A_527 = tpu.memref_slice %arg5[%dma_start3A_524, %dma_start3A_526] : memref<3x80xi32, #tpu.memory_space<vmem>> -> memref<1x80xi32, #tpu.memory_space<vmem>>
          %dma_start3A_528 = tpu.memref_squeeze %dma_start3A_527 : memref<1x80xi32, #tpu.memory_space<vmem>> -> memref<80xi32, #tpu.memory_space<vmem>>
          %dma_start3A_529 = arith.constant 0 : i32
          %dma_start3A_530 = arith.constant 0 : i32
          %dma_start3A_531 = tpu.memref_slice %arg3[%add3A, %dma_start3A_529, %dma_start3A_530] : memref<32x125x80xi32, #tpu.memory_space<hbm>> -> memref<1x125x80xi32, #tpu.memory_space<hbm>>
          %dma_start3A_532 = tpu.memref_squeeze %dma_start3A_531 : memref<1x125x80xi32, #tpu.memory_space<hbm>> -> memref<125x80xi32, #tpu.memory_space<hbm>>
          %dma_start3A_533 = arith.constant 0 : i32
          %dma_start3A_534 = tpu.memref_slice %dma_start3A_532[%add3A_523, %dma_start3A_533] : memref<125x80xi32, #tpu.memory_space<hbm>> -> memref<1x80xi32, #tpu.memory_space<hbm>>
          %dma_start3A_535 = tpu.memref_squeeze %dma_start3A_534 : memref<1x80xi32, #tpu.memory_space<hbm>> -> memref<80xi32, #tpu.memory_space<hbm>>
          %dma_start3A_536 = tpu.memref_slice %arg12[%dma_start3A_525] : memref<3x!tpu.dma_semaphore, #tpu.memory_space<semaphore_mem>> -> memref<1x!tpu.dma_semaphore, #tpu.memory_space<semaphore_mem>>
          %dma_start3A_537 = tpu.memref_squeeze %dma_start3A_536 : memref<1x!tpu.dma_semaphore, #tpu.memory_space<semaphore_mem>> -> memref<!tpu.dma_semaphore, #tpu.memory_space<semaphore_mem>>
          %dma_start3A_538 = arith.constant 0 : i32
          %dma_start3A_539 = tpu.memref_slice %arg5[%dma_start3A_524, %dma_start3A_538] : memref<3x80xi32, #tpu.memory_space<vmem>> -> memref<1x80xi32, #tpu.memory_space<vmem>>
          %dma_start3A_540 = tpu.memref_squeeze %dma_start3A_539 : memref<1x80xi32, #tpu.memory_space<vmem>> -> memref<80xi32, #tpu.memory_space<vmem>>
          %dma_start3A_541 = arith.constant 0 : i32
          %dma_start3A_542 = arith.constant 0 : i32
          %dma_start3A_543 = tpu.memref_slice %arg3[%add3A, %dma_start3A_541, %dma_start3A_542] : memref<32x125x80xi32, #tpu.memory_space<hbm>> -> memref<1x125x80xi32, #tpu.memory_space<hbm>>
          %dma_start3A_544 = tpu.memref_squeeze %dma_start3A_543 : memref<1x125x80xi32, #tpu.memory_space<hbm>> -> memref<125x80xi32, #tpu.memory_space<hbm>>
          %dma_start3A_545 = arith.constant 0 : i32
          %dma_start3A_546 = tpu.memref_slice %dma_start3A_544[%add3A_523, %dma_start3A_545] : memref<125x80xi32, #tpu.memory_space<hbm>> -> memref<1x80xi32, #tpu.memory_space<hbm>>
          %dma_start3A_547 = tpu.memref_squeeze %dma_start3A_546 : memref<1x80xi32, #tpu.memory_space<hbm>> -> memref<80xi32, #tpu.memory_space<hbm>>
          tpu.enqueue_dma source(%dma_start3A_547 : memref<80xi32, #tpu.memory_space<hbm>>) target(%dma_start3A_540 : memref<80xi32, #tpu.memory_space<vmem>>) target_semaphore(%dma_start3A_537 : memref<!tpu.dma_semaphore, #tpu.memory_space<semaphore_mem>>)
        } else {
        }
        %dma_wait3A_492 = arith.constant 1 : i32
        %dma_wait3A_493 = arith.constant 1 : i32
        %dma_wait3A_494 = arith.constant 1 : i32
        %dma_wait3A_495 = arith.constant 0 : i32
        %dma_wait3A_496 = arith.constant 0 : i32
        %dma_wait3A_497 = tpu.memref_slice %arg8[%dma_wait3A_493, %dma_wait3A_495, %dma_wait3A_496] : memref<3x80x128xf32, #tpu.memory_space<vmem>> -> memref<1x80x128xf32, #tpu.memory_space<vmem>>
        %dma_wait3A_498 = tpu.memref_squeeze %dma_wait3A_497 : memref<1x80x128xf32, #tpu.memory_space<vmem>> -> memref<80x128xf32, #tpu.memory_space<vmem>>
        %dma_wait3A_499 = arith.constant 0 : i32
        %dma_wait3A_500 = tpu.memref_slice %arg6[%dma_wait3A_492, %dma_wait3A_499] : memref<3x80xi32, #tpu.memory_space<vmem>> -> memref<1x80xi32, #tpu.memory_space<vmem>>
        %dma_wait3A_501 = tpu.memref_squeeze %dma_wait3A_500 : memref<1x80xi32, #tpu.memory_space<vmem>> -> memref<80xi32, #tpu.memory_space<vmem>>
        %dma_wait3A_502 = arith.constant 0 : i32
        %dma_wait3A_503 = arith.constant 0 : i32
        %dma_wait3A_504 = tpu.memref_slice %arg2[%dma_wait3A_502, %dma_wait3A_503] : memref<10000x128xf32, #tpu.memory_space<hbm>> -> memref<10000x128xf32, #tpu.memory_space<hbm>>
        %dma_wait3A_505 = tpu.memref_slice %arg10[%dma_wait3A_494] : memref<3x!tpu.dma_semaphore, #tpu.memory_space<semaphore_mem>> -> memref<1x!tpu.dma_semaphore, #tpu.memory_space<semaphore_mem>>
        %dma_wait3A_506 = tpu.memref_squeeze %dma_wait3A_505 : memref<1x!tpu.dma_semaphore, #tpu.memory_space<semaphore_mem>> -> memref<!tpu.dma_semaphore, #tpu.memory_space<semaphore_mem>>
        tpu.wait_indirect_dma semaphore(%dma_wait3A_506 : memref<!tpu.dma_semaphore, #tpu.memory_space<semaphore_mem>>) src(%dma_wait3A_504 : memref<10000x128xf32, #tpu.memory_space<hbm>>) dst(%dma_wait3A_498 : memref<80x128xf32, #tpu.memory_space<vmem>>)
        %dma_start3A_507 = arith.constant 1 : i32
        %dma_start3A_508 = arith.constant 1 : i32
        %dma_start3A_509 = arith.constant 1 : i32
        %dma_start3A_510 = arith.constant 0 : i32
        %dma_start3A_511 = arith.constant 0 : i32
        %dma_start3A_512 = tpu.memref_slice %arg8[%dma_start3A_507, %dma_start3A_510, %dma_start3A_511] : memref<3x80x128xf32, #tpu.memory_space<vmem>> -> memref<1x80x128xf32, #tpu.memory_space<vmem>>
        %dma_start3A_513 = tpu.memref_squeeze %dma_start3A_512 : memref<1x80x128xf32, #tpu.memory_space<vmem>> -> memref<80x128xf32, #tpu.memory_space<vmem>>
        %dma_start3A_514 = arith.constant 0 : i32
        %dma_start3A_515 = tpu.memref_slice %arg7[%dma_start3A_508, %dma_start3A_514] : memref<3x80xi32, #tpu.memory_space<vmem>> -> memref<1x80xi32, #tpu.memory_space<vmem>>
        %dma_start3A_516 = tpu.memref_squeeze %dma_start3A_515 : memref<1x80xi32, #tpu.memory_space<vmem>> -> memref<80xi32, #tpu.memory_space<vmem>>
        %dma_start3A_517 = arith.constant 0 : i32
        %dma_start3A_518 = arith.constant 0 : i32
        %dma_start3A_519 = tpu.memref_slice %arg9[%dma_start3A_517, %dma_start3A_518] : memref<10240x128xf32, #tpu.memory_space<vmem_shared>> -> memref<10240x128xf32, #tpu.memory_space<vmem_shared>>
        %dma_start3A_520 = tpu.memref_slice %arg11[%dma_start3A_509] : memref<3x!tpu.dma_semaphore, #tpu.memory_space<semaphore_mem>> -> memref<1x!tpu.dma_semaphore, #tpu.memory_space<semaphore_mem>>
        %dma_start3A_521 = tpu.memref_squeeze %dma_start3A_520 : memref<1x!tpu.dma_semaphore, #tpu.memory_space<semaphore_mem>> -> memref<!tpu.dma_semaphore, #tpu.memory_space<semaphore_mem>>
        tpu.enqueue_indirect_dma source(%dma_start3A_513 : memref<80x128xf32, #tpu.memory_space<vmem>>) target(%dma_start3A_519 : memref<10240x128xf32, #tpu.memory_space<vmem_shared>>) offsets(%dma_start3A_516 : memref<80xi32, #tpu.memory_space<vmem>>) semaphore(%dma_start3A_521 : memref<!tpu.dma_semaphore, #tpu.memory_space<semaphore_mem>>) {add = true}
      } else {
      }
      %mul3A_465 = arith.constant 3 : i32
      %mul3A_466 = arith.muli %mul3A_465, %scan3A_449 : i32
      %add3A_467 = arith.constant 2 : i32
      %add3A_468 = arith.addi %mul3A_466, %add3A_467 : i32
      %lt3A_469 = arith.constant 125 : i32
      %lt3A_470 = arith.cmpi slt, %add3A_468, %lt3A_469 : i32
      %convert_element_type3A_471 = arith.extui %lt3A_470 : i1 to i32
      %cond3A_472 = arith.constant 0 : i32
      %cond3A_473 = arith.cmpi ne, %convert_element_type3A_471, %cond3A_472 : i32
      scf.if %cond3A_473 {
        %ge3A = arith.constant 1 : i32
        %ge3A_474 = arith.cmpi sge, %add3A_468, %ge3A : i32
        %convert_element_type3A_475 = arith.extui %ge3A_474 : i1 to i32
        %cond3A_476 = arith.constant 0 : i32
        %cond3A_477 = arith.cmpi ne, %convert_element_type3A_475, %cond3A_476 : i32
        scf.if %cond3A_477 {
          %dma_wait3A_522 = arith.constant 1 : i32
          %dma_wait3A_523 = arith.constant 1 : i32
          %dma_wait3A_524 = arith.constant 1 : i32
          %dma_wait3A_525 = arith.constant 0 : i32
          %dma_wait3A_526 = arith.constant 0 : i32
          %dma_wait3A_527 = tpu.memref_slice %arg8[%dma_wait3A_522, %dma_wait3A_525, %dma_wait3A_526] : memref<3x80x128xf32, #tpu.memory_space<vmem>> -> memref<1x80x128xf32, #tpu.memory_space<vmem>>
          %dma_wait3A_528 = tpu.memref_squeeze %dma_wait3A_527 : memref<1x80x128xf32, #tpu.memory_space<vmem>> -> memref<80x128xf32, #tpu.memory_space<vmem>>
          %dma_wait3A_529 = arith.constant 0 : i32
          %dma_wait3A_530 = tpu.memref_slice %arg7[%dma_wait3A_523, %dma_wait3A_529] : memref<3x80xi32, #tpu.memory_space<vmem>> -> memref<1x80xi32, #tpu.memory_space<vmem>>
          %dma_wait3A_531 = tpu.memref_squeeze %dma_wait3A_530 : memref<1x80xi32, #tpu.memory_space<vmem>> -> memref<80xi32, #tpu.memory_space<vmem>>
          %dma_wait3A_532 = arith.constant 0 : i32
          %dma_wait3A_533 = arith.constant 0 : i32
          %dma_wait3A_534 = tpu.memref_slice %arg9[%dma_wait3A_532, %dma_wait3A_533] : memref<10240x128xf32, #tpu.memory_space<vmem_shared>> -> memref<10240x128xf32, #tpu.memory_space<vmem_shared>>
          %dma_wait3A_535 = tpu.memref_slice %arg11[%dma_wait3A_524] : memref<3x!tpu.dma_semaphore, #tpu.memory_space<semaphore_mem>> -> memref<1x!tpu.dma_semaphore, #tpu.memory_space<semaphore_mem>>
          %dma_wait3A_536 = tpu.memref_squeeze %dma_wait3A_535 : memref<1x!tpu.dma_semaphore, #tpu.memory_space<semaphore_mem>> -> memref<!tpu.dma_semaphore, #tpu.memory_space<semaphore_mem>>
          tpu.wait_indirect_dma semaphore(%dma_wait3A_536 : memref<!tpu.dma_semaphore, #tpu.memory_space<semaphore_mem>>) src(%dma_wait3A_528 : memref<80x128xf32, #tpu.memory_space<vmem>>) dst(%dma_wait3A_534 : memref<10240x128xf32, #tpu.memory_space<vmem_shared>>)
        } else {
        }
        %add3A_478 = arith.constant 2 : i32
        %add3A_479 = arith.addi %add3A_468, %add3A_478 : i32
        %lt3A_480 = arith.constant 125 : i32
        %lt3A_481 = arith.cmpi slt, %add3A_479, %lt3A_480 : i32
        %convert_element_type3A_482 = arith.extui %lt3A_481 : i1 to i32
        %cond3A_483 = arith.constant 0 : i32
        %cond3A_484 = arith.cmpi ne, %convert_element_type3A_482, %cond3A_483 : i32
        scf.if %cond3A_484 {
          %add3A_522 = arith.constant 2 : i32
          %add3A_523 = arith.addi %add3A_468, %add3A_522 : i32
          %dma_wait3A_524 = arith.constant 1 : i32
          %dma_wait3A_525 = arith.constant 1 : i32
          %dma_wait3A_526 = arith.constant 0 : i32
          %dma_wait3A_527 = tpu.memref_slice %arg5[%dma_wait3A_524, %dma_wait3A_526] : memref<3x80xi32, #tpu.memory_space<vmem>> -> memref<1x80xi32, #tpu.memory_space<vmem>>
          %dma_wait3A_528 = tpu.memref_squeeze %dma_wait3A_527 : memref<1x80xi32, #tpu.memory_space<vmem>> -> memref<80xi32, #tpu.memory_space<vmem>>
          %dma_wait3A_529 = arith.constant 0 : i32
          %dma_wait3A_530 = arith.constant 0 : i32
          %dma_wait3A_531 = tpu.memref_slice %arg3[%add3A, %dma_wait3A_529, %dma_wait3A_530] : memref<32x125x80xi32, #tpu.memory_space<hbm>> -> memref<1x125x80xi32, #tpu.memory_space<hbm>>
          %dma_wait3A_532 = tpu.memref_squeeze %dma_wait3A_531 : memref<1x125x80xi32, #tpu.memory_space<hbm>> -> memref<125x80xi32, #tpu.memory_space<hbm>>
          %dma_wait3A_533 = arith.constant 0 : i32
          %dma_wait3A_534 = tpu.memref_slice %dma_wait3A_532[%add3A_523, %dma_wait3A_533] : memref<125x80xi32, #tpu.memory_space<hbm>> -> memref<1x80xi32, #tpu.memory_space<hbm>>
          %dma_wait3A_535 = tpu.memref_squeeze %dma_wait3A_534 : memref<1x80xi32, #tpu.memory_space<hbm>> -> memref<80xi32, #tpu.memory_space<hbm>>
          %dma_wait3A_536 = tpu.memref_slice %arg12[%dma_wait3A_525] : memref<3x!tpu.dma_semaphore, #tpu.memory_space<semaphore_mem>> -> memref<1x!tpu.dma_semaphore, #tpu.memory_space<semaphore_mem>>
          %dma_wait3A_537 = tpu.memref_squeeze %dma_wait3A_536 : memref<1x!tpu.dma_semaphore, #tpu.memory_space<semaphore_mem>> -> memref<!tpu.dma_semaphore, #tpu.memory_space<semaphore_mem>>
          %dma_wait3A_538 = arith.constant 0 : i32
          %dma_wait3A_539 = tpu.memref_slice %arg5[%dma_wait3A_524, %dma_wait3A_538] : memref<3x80xi32, #tpu.memory_space<vmem>> -> memref<1x80xi32, #tpu.memory_space<vmem>>
          %dma_wait3A_540 = tpu.memref_squeeze %dma_wait3A_539 : memref<1x80xi32, #tpu.memory_space<vmem>> -> memref<80xi32, #tpu.memory_space<vmem>>
          %dma_wait3A_541 = arith.constant 0 : i32
          %dma_wait3A_542 = arith.constant 0 : i32
          %dma_wait3A_543 = tpu.memref_slice %arg3[%add3A, %dma_wait3A_541, %dma_wait3A_542] : memref<32x125x80xi32, #tpu.memory_space<hbm>> -> memref<1x125x80xi32, #tpu.memory_space<hbm>>
          %dma_wait3A_544 = tpu.memref_squeeze %dma_wait3A_543 : memref<1x125x80xi32, #tpu.memory_space<hbm>> -> memref<125x80xi32, #tpu.memory_space<hbm>>
          %dma_wait3A_545 = arith.constant 0 : i32
          %dma_wait3A_546 = tpu.memref_slice %dma_wait3A_544[%add3A_523, %dma_wait3A_545] : memref<125x80xi32, #tpu.memory_space<hbm>> -> memref<1x80xi32, #tpu.memory_space<hbm>>
          %dma_wait3A_547 = tpu.memref_squeeze %dma_wait3A_546 : memref<1x80xi32, #tpu.memory_space<hbm>> -> memref<80xi32, #tpu.memory_space<hbm>>
          tpu.wait_dma2 semaphore(%dma_wait3A_537 : memref<!tpu.dma_semaphore, #tpu.memory_space<semaphore_mem>>) src(%dma_wait3A_547 : memref<80xi32, #tpu.memory_space<hbm>>) dst(%dma_wait3A_540 : memref<80xi32, #tpu.memory_space<vmem>>)
          %get3A_548 = arith.constant 1 : i32
          %get3A_549 = arith.index_cast %get3A_548 : i32 to index
          %get3A_550 = arith.constant 0 : index
          %get3A_551 = tpu.vector_load %arg5[%get3A_549, %get3A_550] {strides = array<i32>} : memref<3x80xi32, #tpu.memory_space<vmem>>, vector<1x16xi32>,
          %get3A_552 = vector.shape_cast %get3A_551 : vector<1x16xi32> to vector<16xi32>
          %and3A_553 = arith.constant 65535 : i32
          %and3A_554 = vector.broadcast %and3A_553 : i32 to vector<16xi32>
          %and3A_555 = arith.andi %get3A_552, %and3A_554 : vector<16xi32>
          %swap3A_556 = arith.constant 1 : i32
          %swap3A_557 = arith.index_cast %swap3A_556 : i32 to index
          %swap3A_558 = arith.constant 0 : index
          %swap3A_559 = tpu.vector_load %arg6[%swap3A_557, %swap3A_558] {strides = array<i32>} : memref<3x80xi32, #tpu.memory_space<vmem>>, vector<1x16xi32>,
          %swap3A_560 = vector.shape_cast %swap3A_559 : vector<1x16xi32> to vector<16xi32>
          %swap3A_561 = vector.shape_cast %and3A_555 : vector<16xi32> to vector<1x16xi32>
          tpu.vector_store %arg6[%swap3A_557, %swap3A_558], %swap3A_561 {strides = array<i32>} : memref<3x80xi32, #tpu.memory_space<vmem>>, vector<1x16xi32>,
          %shift_right_logical3A_562 = arith.constant 16 : i32
          %shift_right_logical3A_563 = vector.broadcast %shift_right_logical3A_562 : i32 to vector<16xi32>
          %shift_right_logical3A_564 = arith.shrui %get3A_552, %shift_right_logical3A_563 : vector<16xi32>
          %swap3A_565 = arith.constant 1 : i32
          %swap3A_566 = arith.index_cast %swap3A_565 : i32 to index
          %swap3A_567 = arith.constant 0 : index
          %swap3A_568 = tpu.vector_load %arg7[%swap3A_566, %swap3A_567] {strides = array<i32>} : memref<3x80xi32, #tpu.memory_space<vmem>>, vector<1x16xi32>,
          %swap3A_569 = vector.shape_cast %swap3A_568 : vector<1x16xi32> to vector<16xi32>
          %swap3A_570 = vector.shape_cast %shift_right_logical3A_564 : vector<16xi32> to vector<1x16xi32>
          tpu.vector_store %arg7[%swap3A_566, %swap3A_567], %swap3A_570 {strides = array<i32>} : memref<3x80xi32, #tpu.memory_space<vmem>>, vector<1x16xi32>,
          %get3A_571 = arith.constant 1 : i32
          %get3A_572 = arith.index_cast %get3A_571 : i32 to index
          %get3A_573 = arith.constant 16 : index
          %get3A_574 = tpu.vector_load %arg5[%get3A_572, %get3A_573] {strides = array<i32>} : memref<3x80xi32, #tpu.memory_space<vmem>>, vector<1x16xi32>,
          %get3A_575 = vector.shape_cast %get3A_574 : vector<1x16xi32> to vector<16xi32>
          %and3A_576 = arith.constant 65535 : i32
          %and3A_577 = vector.broadcast %and3A_576 : i32 to vector<16xi32>
          %and3A_578 = arith.andi %get3A_575, %and3A_577 : vector<16xi32>
          %swap3A_579 = arith.constant 1 : i32
          %swap3A_580 = arith.index_cast %swap3A_579 : i32 to index
          %swap3A_581 = arith.constant 16 : index
          %swap3A_582 = tpu.vector_load %arg6[%swap3A_580, %swap3A_581] {strides = array<i32>} : memref<3x80xi32, #tpu.memory_space<vmem>>, vector<1x16xi32>,
          %swap3A_583 = vector.shape_cast %swap3A_582 : vector<1x16xi32> to vector<16xi32>
          %swap3A_584 = vector.shape_cast %and3A_578 : vector<16xi32> to vector<1x16xi32>
          tpu.vector_store %arg6[%swap3A_580, %swap3A_581], %swap3A_584 {strides = array<i32>} : memref<3x80xi32, #tpu.memory_space<vmem>>, vector<1x16xi32>,
          %shift_right_logical3A_585 = arith.constant 16 : i32
          %shift_right_logical3A_586 = vector.broadcast %shift_right_logical3A_585 : i32 to vector<16xi32>
          %shift_right_logical3A_587 = arith.shrui %get3A_575, %shift_right_logical3A_586 : vector<16xi32>
          %swap3A_588 = arith.constant 1 : i32
          %swap3A_589 = arith.index_cast %swap3A_588 : i32 to index
          %swap3A_590 = arith.constant 16 : index
          %swap3A_591 = tpu.vector_load %arg7[%swap3A_589, %swap3A_590] {strides = array<i32>} : memref<3x80xi32, #tpu.memory_space<vmem>>, vector<1x16xi32>,
          %swap3A_592 = vector.shape_cast %swap3A_591 : vector<1x16xi32> to vector<16xi32>
          %swap3A_593 = vector.shape_cast %shift_right_logical3A_587 : vector<16xi32> to vector<1x16xi32>
          tpu.vector_store %arg7[%swap3A_589, %swap3A_590], %swap3A_593 {strides = array<i32>} : memref<3x80xi32, #tpu.memory_space<vmem>>, vector<1x16xi32>,
          %get3A_594 = arith.constant 1 : i32
          %get3A_595 = arith.index_cast %get3A_594 : i32 to index
          %get3A_596 = arith.constant 32 : index
          %get3A_597 = tpu.vector_load %arg5[%get3A_595, %get3A_596] {strides = array<i32>} : memref<3x80xi32, #tpu.memory_space<vmem>>, vector<1x16xi32>,
          %get3A_598 = vector.shape_cast %get3A_597 : vector<1x16xi32> to vector<16xi32>
          %and3A_599 = arith.constant 65535 : i32
          %and3A_600 = vector.broadcast %and3A_599 : i32 to vector<16xi32>
          %and3A_601 = arith.andi %get3A_598, %and3A_600 : vector<16xi32>
          %swap3A_602 = arith.constant 1 : i32
          %swap3A_603 = arith.index_cast %swap3A_602 : i32 to index
          %swap3A_604 = arith.constant 32 : index
          %swap3A_605 = tpu.vector_load %arg6[%swap3A_603, %swap3A_604] {strides = array<i32>} : memref<3x80xi32, #tpu.memory_space<vmem>>, vector<1x16xi32>,
          %swap3A_606 = vector.shape_cast %swap3A_605 : vector<1x16xi32> to vector<16xi32>
          %swap3A_607 = vector.shape_cast %and3A_601 : vector<16xi32> to vector<1x16xi32>
          tpu.vector_store %arg6[%swap3A_603, %swap3A_604], %swap3A_607 {strides = array<i32>} : memref<3x80xi32, #tpu.memory_space<vmem>>, vector<1x16xi32>,
          %shift_right_logical3A_608 = arith.constant 16 : i32
          %shift_right_logical3A_609 = vector.broadcast %shift_right_logical3A_608 : i32 to vector<16xi32>
          %shift_right_logical3A_610 = arith.shrui %get3A_598, %shift_right_logical3A_609 : vector<16xi32>
          %swap3A_611 = arith.constant 1 : i32
          %swap3A_612 = arith.index_cast %swap3A_611 : i32 to index
          %swap3A_613 = arith.constant 32 : index
          %swap3A_614 = tpu.vector_load %arg7[%swap3A_612, %swap3A_613] {strides = array<i32>} : memref<3x80xi32, #tpu.memory_space<vmem>>, vector<1x16xi32>,
          %swap3A_615 = vector.shape_cast %swap3A_614 : vector<1x16xi32> to vector<16xi32>
          %swap3A_616 = vector.shape_cast %shift_right_logical3A_610 : vector<16xi32> to vector<1x16xi32>
          tpu.vector_store %arg7[%swap3A_612, %swap3A_613], %swap3A_616 {strides = array<i32>} : memref<3x80xi32, #tpu.memory_space<vmem>>, vector<1x16xi32>,
          %get3A_617 = arith.constant 1 : i32
          %get3A_618 = arith.index_cast %get3A_617 : i32 to index
          %get3A_619 = arith.constant 48 : index
          %get3A_620 = tpu.vector_load %arg5[%get3A_618, %get3A_619] {strides = array<i32>} : memref<3x80xi32, #tpu.memory_space<vmem>>, vector<1x16xi32>,
          %get3A_621 = vector.shape_cast %get3A_620 : vector<1x16xi32> to vector<16xi32>
          %and3A_622 = arith.constant 65535 : i32
          %and3A_623 = vector.broadcast %and3A_622 : i32 to vector<16xi32>
          %and3A_624 = arith.andi %get3A_621, %and3A_623 : vector<16xi32>
          %swap3A_625 = arith.constant 1 : i32
          %swap3A_626 = arith.index_cast %swap3A_625 : i32 to index
          %swap3A_627 = arith.constant 48 : index
          %swap3A_628 = tpu.vector_load %arg6[%swap3A_626, %swap3A_627] {strides = array<i32>} : memref<3x80xi32, #tpu.memory_space<vmem>>, vector<1x16xi32>,
          %swap3A_629 = vector.shape_cast %swap3A_628 : vector<1x16xi32> to vector<16xi32>
          %swap3A_630 = vector.shape_cast %and3A_624 : vector<16xi32> to vector<1x16xi32>
          tpu.vector_store %arg6[%swap3A_626, %swap3A_627], %swap3A_630 {strides = array<i32>} : memref<3x80xi32, #tpu.memory_space<vmem>>, vector<1x16xi32>,
          %shift_right_logical3A_631 = arith.constant 16 : i32
          %shift_right_logical3A_632 = vector.broadcast %shift_right_logical3A_631 : i32 to vector<16xi32>
          %shift_right_logical3A_633 = arith.shrui %get3A_621, %shift_right_logical3A_632 : vector<16xi32>
          %swap3A_634 = arith.constant 1 : i32
          %swap3A_635 = arith.index_cast %swap3A_634 : i32 to index
          %swap3A_636 = arith.constant 48 : index
          %swap3A_637 = tpu.vector_load %arg7[%swap3A_635, %swap3A_636] {strides = array<i32>} : memref<3x80xi32, #tpu.memory_space<vmem>>, vector<1x16xi32>,
          %swap3A_638 = vector.shape_cast %swap3A_637 : vector<1x16xi32> to vector<16xi32>
          %swap3A_639 = vector.shape_cast %shift_right_logical3A_633 : vector<16xi32> to vector<1x16xi32>
          tpu.vector_store %arg7[%swap3A_635, %swap3A_636], %swap3A_639 {strides = array<i32>} : memref<3x80xi32, #tpu.memory_space<vmem>>, vector<1x16xi32>,
          %get3A_640 = arith.constant 1 : i32
          %get3A_641 = arith.index_cast %get3A_640 : i32 to index
          %get3A_642 = arith.constant 64 : index
          %get3A_643 = tpu.vector_load %arg5[%get3A_641, %get3A_642] {strides = array<i32>} : memref<3x80xi32, #tpu.memory_space<vmem>>, vector<1x16xi32>,
          %get3A_644 = vector.shape_cast %get3A_643 : vector<1x16xi32> to vector<16xi32>
          %and3A_645 = arith.constant 65535 : i32
          %and3A_646 = vector.broadcast %and3A_645 : i32 to vector<16xi32>
          %and3A_647 = arith.andi %get3A_644, %and3A_646 : vector<16xi32>
          %swap3A_648 = arith.constant 1 : i32
          %swap3A_649 = arith.index_cast %swap3A_648 : i32 to index
          %swap3A_650 = arith.constant 64 : index
          %swap3A_651 = tpu.vector_load %arg6[%swap3A_649, %swap3A_650] {strides = array<i32>} : memref<3x80xi32, #tpu.memory_space<vmem>>, vector<1x16xi32>,
          %swap3A_652 = vector.shape_cast %swap3A_651 : vector<1x16xi32> to vector<16xi32>
          %swap3A_653 = vector.shape_cast %and3A_647 : vector<16xi32> to vector<1x16xi32>
          tpu.vector_store %arg6[%swap3A_649, %swap3A_650], %swap3A_653 {strides = array<i32>} : memref<3x80xi32, #tpu.memory_space<vmem>>, vector<1x16xi32>,
          %shift_right_logical3A_654 = arith.constant 16 : i32
          %shift_right_logical3A_655 = vector.broadcast %shift_right_logical3A_654 : i32 to vector<16xi32>
          %shift_right_logical3A_656 = arith.shrui %get3A_644, %shift_right_logical3A_655 : vector<16xi32>
          %swap3A_657 = arith.constant 1 : i32
          %swap3A_658 = arith.index_cast %swap3A_657 : i32 to index
          %swap3A_659 = arith.constant 64 : index
          %swap3A_660 = tpu.vector_load %arg7[%swap3A_658, %swap3A_659] {strides = array<i32>} : memref<3x80xi32, #tpu.memory_space<vmem>>, vector<1x16xi32>,
          %swap3A_661 = vector.shape_cast %swap3A_660 : vector<1x16xi32> to vector<16xi32>
          %swap3A_662 = vector.shape_cast %shift_right_logical3A_656 : vector<16xi32> to vector<1x16xi32>
          tpu.vector_store %arg7[%swap3A_658, %swap3A_659], %swap3A_662 {strides = array<i32>} : memref<3x80xi32, #tpu.memory_space<vmem>>, vector<1x16xi32>,
          %dma_start3A_663 = arith.constant 1 : i32
          %dma_start3A_664 = arith.constant 1 : i32
          %dma_start3A_665 = arith.constant 1 : i32
          %dma_start3A_666 = arith.constant 0 : i32
          %dma_start3A_667 = arith.constant 0 : i32
          %dma_start3A_668 = tpu.memref_slice %arg8[%dma_start3A_664, %dma_start3A_666, %dma_start3A_667] : memref<3x80x128xf32, #tpu.memory_space<vmem>> -> memref<1x80x128xf32, #tpu.memory_space<vmem>>
          %dma_start3A_669 = tpu.memref_squeeze %dma_start3A_668 : memref<1x80x128xf32, #tpu.memory_space<vmem>> -> memref<80x128xf32, #tpu.memory_space<vmem>>
          %dma_start3A_670 = arith.constant 0 : i32
          %dma_start3A_671 = tpu.memref_slice %arg6[%dma_start3A_663, %dma_start3A_670] : memref<3x80xi32, #tpu.memory_space<vmem>> -> memref<1x80xi32, #tpu.memory_space<vmem>>
          %dma_start3A_672 = tpu.memref_squeeze %dma_start3A_671 : memref<1x80xi32, #tpu.memory_space<vmem>> -> memref<80xi32, #tpu.memory_space<vmem>>
          %dma_start3A_673 = arith.constant 0 : i32
          %dma_start3A_674 = arith.constant 0 : i32
          %dma_start3A_675 = tpu.memref_slice %arg2[%dma_start3A_673, %dma_start3A_674] : memref<10000x128xf32, #tpu.memory_space<hbm>> -> memref<10000x128xf32, #tpu.memory_space<hbm>>
          %dma_start3A_676 = tpu.memref_slice %arg10[%dma_start3A_665] : memref<3x!tpu.dma_semaphore, #tpu.memory_space<semaphore_mem>> -> memref<1x!tpu.dma_semaphore, #tpu.memory_space<semaphore_mem>>
          %dma_start3A_677 = tpu.memref_squeeze %dma_start3A_676 : memref<1x!tpu.dma_semaphore, #tpu.memory_space<semaphore_mem>> -> memref<!tpu.dma_semaphore, #tpu.memory_space<semaphore_mem>>
          tpu.enqueue_indirect_dma source(%dma_start3A_675 : memref<10000x128xf32, #tpu.memory_space<hbm>>) target(%dma_start3A_669 : memref<80x128xf32, #tpu.memory_space<vmem>>) offsets(%dma_start3A_672 : memref<80xi32, #tpu.memory_space<vmem>>) semaphore(%dma_start3A_677 : memref<!tpu.dma_semaphore, #tpu.memory_space<semaphore_mem>>)
        } else {
        }
        %add3A_485 = arith.constant 3 : i32
        %add3A_486 = arith.addi %add3A_468, %add3A_485 : i32
        %lt3A_487 = arith.constant 125 : i32
        %lt3A_488 = arith.cmpi slt, %add3A_486, %lt3A_487 : i32
        %convert_element_type3A_489 = arith.extui %lt3A_488 : i1 to i32
        %cond3A_490 = arith.constant 0 : i32
        %cond3A_491 = arith.cmpi ne, %convert_element_type3A_489, %cond3A_490 : i32
        scf.if %cond3A_491 {
          %add3A_522 = arith.constant 3 : i32
          %add3A_523 = arith.addi %add3A_468, %add3A_522 : i32
          %dma_start3A_524 = arith.constant 2 : i32
          %dma_start3A_525 = arith.constant 2 : i32
          %dma_start3A_526 = arith.constant 0 : i32
          %dma_start3A_527 = tpu.memref_slice %arg5[%dma_start3A_524, %dma_start3A_526] : memref<3x80xi32, #tpu.memory_space<vmem>> -> memref<1x80xi32, #tpu.memory_space<vmem>>
          %dma_start3A_528 = tpu.memref_squeeze %dma_start3A_527 : memref<1x80xi32, #tpu.memory_space<vmem>> -> memref<80xi32, #tpu.memory_space<vmem>>
          %dma_start3A_529 = arith.constant 0 : i32
          %dma_start3A_530 = arith.constant 0 : i32
          %dma_start3A_531 = tpu.memref_slice %arg3[%add3A, %dma_start3A_529, %dma_start3A_530] : memref<32x125x80xi32, #tpu.memory_space<hbm>> -> memref<1x125x80xi32, #tpu.memory_space<hbm>>
          %dma_start3A_532 = tpu.memref_squeeze %dma_start3A_531 : memref<1x125x80xi32, #tpu.memory_space<hbm>> -> memref<125x80xi32, #tpu.memory_space<hbm>>
          %dma_start3A_533 = arith.constant 0 : i32
          %dma_start3A_534 = tpu.memref_slice %dma_start3A_532[%add3A_523, %dma_start3A_533] : memref<125x80xi32, #tpu.memory_space<hbm>> -> memref<1x80xi32, #tpu.memory_space<hbm>>
          %dma_start3A_535 = tpu.memref_squeeze %dma_start3A_534 : memref<1x80xi32, #tpu.memory_space<hbm>> -> memref<80xi32, #tpu.memory_space<hbm>>
          %dma_start3A_536 = tpu.memref_slice %arg12[%dma_start3A_525] : memref<3x!tpu.dma_semaphore, #tpu.memory_space<semaphore_mem>> -> memref<1x!tpu.dma_semaphore, #tpu.memory_space<semaphore_mem>>
          %dma_start3A_537 = tpu.memref_squeeze %dma_start3A_536 : memref<1x!tpu.dma_semaphore, #tpu.memory_space<semaphore_mem>> -> memref<!tpu.dma_semaphore, #tpu.memory_space<semaphore_mem>>
          %dma_start3A_538 = arith.constant 0 : i32
          %dma_start3A_539 = tpu.memref_slice %arg5[%dma_start3A_524, %dma_start3A_538] : memref<3x80xi32, #tpu.memory_space<vmem>> -> memref<1x80xi32, #tpu.memory_space<vmem>>
          %dma_start3A_540 = tpu.memref_squeeze %dma_start3A_539 : memref<1x80xi32, #tpu.memory_space<vmem>> -> memref<80xi32, #tpu.memory_space<vmem>>
          %dma_start3A_541 = arith.constant 0 : i32
          %dma_start3A_542 = arith.constant 0 : i32
          %dma_start3A_543 = tpu.memref_slice %arg3[%add3A, %dma_start3A_541, %dma_start3A_542] : memref<32x125x80xi32, #tpu.memory_space<hbm>> -> memref<1x125x80xi32, #tpu.memory_space<hbm>>
          %dma_start3A_544 = tpu.memref_squeeze %dma_start3A_543 : memref<1x125x80xi32, #tpu.memory_space<hbm>> -> memref<125x80xi32, #tpu.memory_space<hbm>>
          %dma_start3A_545 = arith.constant 0 : i32
          %dma_start3A_546 = tpu.memref_slice %dma_start3A_544[%add3A_523, %dma_start3A_545] : memref<125x80xi32, #tpu.memory_space<hbm>> -> memref<1x80xi32, #tpu.memory_space<hbm>>
          %dma_start3A_547 = tpu.memref_squeeze %dma_start3A_546 : memref<1x80xi32, #tpu.memory_space<hbm>> -> memref<80xi32, #tpu.memory_space<hbm>>
          tpu.enqueue_dma source(%dma_start3A_547 : memref<80xi32, #tpu.memory_space<hbm>>) target(%dma_start3A_540 : memref<80xi32, #tpu.memory_space<vmem>>) target_semaphore(%dma_start3A_537 : memref<!tpu.dma_semaphore, #tpu.memory_space<semaphore_mem>>)
        } else {
        }
        %dma_wait3A_492 = arith.constant 2 : i32
        %dma_wait3A_493 = arith.constant 2 : i32
        %dma_wait3A_494 = arith.constant 2 : i32
        %dma_wait3A_495 = arith.constant 0 : i32
        %dma_wait3A_496 = arith.constant 0 : i32
        %dma_wait3A_497 = tpu.memref_slice %arg8[%dma_wait3A_493, %dma_wait3A_495, %dma_wait3A_496] : memref<3x80x128xf32, #tpu.memory_space<vmem>> -> memref<1x80x128xf32, #tpu.memory_space<vmem>>
        %dma_wait3A_498 = tpu.memref_squeeze %dma_wait3A_497 : memref<1x80x128xf32, #tpu.memory_space<vmem>> -> memref<80x128xf32, #tpu.memory_space<vmem>>
        %dma_wait3A_499 = arith.constant 0 : i32
        %dma_wait3A_500 = tpu.memref_slice %arg6[%dma_wait3A_492, %dma_wait3A_499] : memref<3x80xi32, #tpu.memory_space<vmem>> -> memref<1x80xi32, #tpu.memory_space<vmem>>
        %dma_wait3A_501 = tpu.memref_squeeze %dma_wait3A_500 : memref<1x80xi32, #tpu.memory_space<vmem>> -> memref<80xi32, #tpu.memory_space<vmem>>
        %dma_wait3A_502 = arith.constant 0 : i32
        %dma_wait3A_503 = arith.constant 0 : i32
        %dma_wait3A_504 = tpu.memref_slice %arg2[%dma_wait3A_502, %dma_wait3A_503] : memref<10000x128xf32, #tpu.memory_space<hbm>> -> memref<10000x128xf32, #tpu.memory_space<hbm>>
        %dma_wait3A_505 = tpu.memref_slice %arg10[%dma_wait3A_494] : memref<3x!tpu.dma_semaphore, #tpu.memory_space<semaphore_mem>> -> memref<1x!tpu.dma_semaphore, #tpu.memory_space<semaphore_mem>>
        %dma_wait3A_506 = tpu.memref_squeeze %dma_wait3A_505 : memref<1x!tpu.dma_semaphore, #tpu.memory_space<semaphore_mem>> -> memref<!tpu.dma_semaphore, #tpu.memory_space<semaphore_mem>>
        tpu.wait_indirect_dma semaphore(%dma_wait3A_506 : memref<!tpu.dma_semaphore, #tpu.memory_space<semaphore_mem>>) src(%dma_wait3A_504 : memref<10000x128xf32, #tpu.memory_space<hbm>>) dst(%dma_wait3A_498 : memref<80x128xf32, #tpu.memory_space<vmem>>)
        %dma_start3A_507 = arith.constant 2 : i32
        %dma_start3A_508 = arith.constant 2 : i32
        %dma_start3A_509 = arith.constant 2 : i32
        %dma_start3A_510 = arith.constant 0 : i32
        %dma_start3A_511 = arith.constant 0 : i32
        %dma_start3A_512 = tpu.memref_slice %arg8[%dma_start3A_507, %dma_start3A_510, %dma_start3A_511] : memref<3x80x128xf32, #tpu.memory_space<vmem>> -> memref<1x80x128xf32, #tpu.memory_space<vmem>>
        %dma_start3A_513 = tpu.memref_squeeze %dma_start3A_512 : memref<1x80x128xf32, #tpu.memory_space<vmem>> -> memref<80x128xf32, #tpu.memory_space<vmem>>
        %dma_start3A_514 = arith.constant 0 : i32
        %dma_start3A_515 = tpu.memref_slice %arg7[%dma_start3A_508, %dma_start3A_514] : memref<3x80xi32, #tpu.memory_space<vmem>> -> memref<1x80xi32, #tpu.memory_space<vmem>>
        %dma_start3A_516 = tpu.memref_squeeze %dma_start3A_515 : memref<1x80xi32, #tpu.memory_space<vmem>> -> memref<80xi32, #tpu.memory_space<vmem>>
        %dma_start3A_517 = arith.constant 0 : i32
        %dma_start3A_518 = arith.constant 0 : i32
        %dma_start3A_519 = tpu.memref_slice %arg9[%dma_start3A_517, %dma_start3A_518] : memref<10240x128xf32, #tpu.memory_space<vmem_shared>> -> memref<10240x128xf32, #tpu.memory_space<vmem_shared>>
        %dma_start3A_520 = tpu.memref_slice %arg11[%dma_start3A_509] : memref<3x!tpu.dma_semaphore, #tpu.memory_space<semaphore_mem>> -> memref<1x!tpu.dma_semaphore, #tpu.memory_space<semaphore_mem>>
        %dma_start3A_521 = tpu.memref_squeeze %dma_start3A_520 : memref<1x!tpu.dma_semaphore, #tpu.memory_space<semaphore_mem>> -> memref<!tpu.dma_semaphore, #tpu.memory_space<semaphore_mem>>
        tpu.enqueue_indirect_dma source(%dma_start3A_513 : memref<80x128xf32, #tpu.memory_space<vmem>>) target(%dma_start3A_519 : memref<10240x128xf32, #tpu.memory_space<vmem_shared>>) offsets(%dma_start3A_516 : memref<80xi32, #tpu.memory_space<vmem>>) semaphore(%dma_start3A_521 : memref<!tpu.dma_semaphore, #tpu.memory_space<semaphore_mem>>) {add = true}
      } else {
      }
    }
    %scan3A_430 = arith.constant 42 : i32
    %dma_wait3A_431 = arith.constant 1 : i32
    %dma_wait3A_432 = arith.constant 1 : i32
    %dma_wait3A_433 = arith.constant 1 : i32
    %dma_wait3A_434 = arith.constant 0 : i32
    %dma_wait3A_435 = arith.constant 0 : i32
    %dma_wait3A_436 = tpu.memref_slice %arg8[%dma_wait3A_431, %dma_wait3A_434, %dma_wait3A_435] : memref<3x80x128xf32, #tpu.memory_space<vmem>> -> memref<1x80x128xf32, #tpu.memory_space<vmem>>
    %dma_wait3A_437 = tpu.memref_squeeze %dma_wait3A_436 : memref<1x80x128xf32, #tpu.memory_space<vmem>> -> memref<80x128xf32, #tpu.memory_space<vmem>>
    %dma_wait3A_438 = arith.constant 0 : i32
    %dma_wait3A_439 = tpu.memref_slice %arg7[%dma_wait3A_432, %dma_wait3A_438] : memref<3x80xi32, #tpu.memory_space<vmem>> -> memref<1x80xi32, #tpu.memory_space<vmem>>
    %dma_wait3A_440 = tpu.memref_squeeze %dma_wait3A_439 : memref<1x80xi32, #tpu.memory_space<vmem>> -> memref<80xi32, #tpu.memory_space<vmem>>
    %dma_wait3A_441 = arith.constant 0 : i32
    %dma_wait3A_442 = arith.constant 0 : i32
    %dma_wait3A_443 = tpu.memref_slice %arg9[%dma_wait3A_441, %dma_wait3A_442] : memref<10240x128xf32, #tpu.memory_space<vmem_shared>> -> memref<10240x128xf32, #tpu.memory_space<vmem_shared>>
    %dma_wait3A_444 = tpu.memref_slice %arg11[%dma_wait3A_433] : memref<3x!tpu.dma_semaphore, #tpu.memory_space<semaphore_mem>> -> memref<1x!tpu.dma_semaphore, #tpu.memory_space<semaphore_mem>>
    %dma_wait3A_445 = tpu.memref_squeeze %dma_wait3A_444 : memref<1x!tpu.dma_semaphore, #tpu.memory_space<semaphore_mem>> -> memref<!tpu.dma_semaphore, #tpu.memory_space<semaphore_mem>>
    tpu.wait_indirect_dma semaphore(%dma_wait3A_445 : memref<!tpu.dma_semaphore, #tpu.memory_space<semaphore_mem>>) src(%dma_wait3A_437 : memref<80x128xf32, #tpu.memory_space<vmem>>) dst(%dma_wait3A_443 : memref<10240x128xf32, #tpu.memory_space<vmem_shared>>)
    %barrier3A_446 = arith.constant 0 : index
    tpu.barrier barrier_id(%barrier3A_446)
    %mul3A_447 = arith.constant 640 : i32
    %mul3A_448 = arith.muli %arg1, %mul3A_447 : i32
    "tpu.region"() ({
      %run_scoped3A_449 = tpu.sem_alloc : memref<!tpu.dma_semaphore, #tpu.memory_space<semaphore_mem>>
      %dma_start3A_450 = arith.constant 0 : i32
      %dma_start3A_451 = arith.constant 0 : i32
      %dma_start3A_452 = tpu.memref_slice %arg4[%arg0, %dma_start3A_450, %dma_start3A_451] : memref<2x10240x128xf32, #tpu.memory_space<hbm>> -> memref<1x10240x128xf32, #tpu.memory_space<hbm>>
      %dma_start3A_453 = tpu.memref_squeeze %dma_start3A_452 : memref<1x10240x128xf32, #tpu.memory_space<hbm>> -> memref<10240x128xf32, #tpu.memory_space<hbm>>
      %dma_start3A_454 = arith.constant 0 : i32
      %dma_start3A_455 = tpu.memref_slice %dma_start3A_453[%mul3A_448, %dma_start3A_454] : memref<10240x128xf32, #tpu.memory_space<hbm>> -> memref<640x128xf32, #tpu.memory_space<hbm>>
      %dma_start3A_456 = arith.constant 0 : i32
      %dma_start3A_457 = tpu.memref_slice %arg9[%mul3A_448, %dma_start3A_456] : memref<10240x128xf32, #tpu.memory_space<vmem_shared>> -> memref<640x128xf32, #tpu.memory_space<vmem_shared>>
      tpu.enqueue_dma source(%dma_start3A_457 : memref<640x128xf32, #tpu.memory_space<vmem_shared>>) target(%dma_start3A_455 : memref<640x128xf32, #tpu.memory_space<hbm>>) target_semaphore(%run_scoped3A_449 : memref<!tpu.dma_semaphore, #tpu.memory_space<semaphore_mem>>)
      %dma_wait3A_458 = arith.constant 0 : i32
      %dma_wait3A_459 = arith.constant 0 : i32
      %dma_wait3A_460 = tpu.memref_slice %arg4[%arg0, %dma_wait3A_458, %dma_wait3A_459] : memref<2x10240x128xf32, #tpu.memory_space<hbm>> -> memref<1x10240x128xf32, #tpu.memory_space<hbm>>
      %dma_wait3A_461 = tpu.memref_squeeze %dma_wait3A_460 : memref<1x10240x128xf32, #tpu.memory_space<hbm>> -> memref<10240x128xf32, #tpu.memory_space<hbm>>
      %dma_wait3A_462 = arith.constant 0 : i32
      %dma_wait3A_463 = tpu.memref_slice %dma_wait3A_461[%mul3A_448, %dma_wait3A_462] : memref<10240x128xf32, #tpu.memory_space<hbm>> -> memref<640x128xf32, #tpu.memory_space<hbm>>
      %dma_wait3A_464 = arith.constant 0 : i32
      %dma_wait3A_465 = tpu.memref_slice %arg9[%mul3A_448, %dma_wait3A_464] : memref<10240x128xf32, #tpu.memory_space<vmem_shared>> -> memref<640x128xf32, #tpu.memory_space<vmem_shared>>
      tpu.wait_dma2 semaphore(%run_scoped3A_449 : memref<!tpu.dma_semaphore, #tpu.memory_space<semaphore_mem>>) src(%dma_wait3A_465 : memref<640x128xf32, #tpu.memory_space<vmem_shared>>) dst(%dma_wait3A_463 : memref<640x128xf32, #tpu.memory_space<hbm>>)
      tpu.yield
    }) : () -> ()
    return
  }
}

module attributes {stable_mosaic.version = 14 : i64} {
  func.func @body(%arg0: memref<10000x128xf32, #tpu.memory_space<vmem>>, %arg1: memref<2x10240x128xf32, #tpu.memory_space<vmem>>, %arg2: memref<128x128xf32, #tpu.memory_space<vmem>>, %arg3: memref<1x128xf32, #tpu.memory_space<vmem>>, %arg4: memref<128x128xf32, #tpu.memory_space<vmem>>, %arg5: memref<1x128xf32, #tpu.memory_space<vmem>>, %arg6: memref<1x128xf32, #tpu.memory_space<vmem>>, %arg7: memref<1x128xf32, #tpu.memory_space<vmem>>, %arg8: memref<10000x128xf32, #tpu.memory_space<vmem>>) attributes {dimension_semantics = [], scalar_prefetch = 0 : i64, scratch_operands = 0 : i64, tpu.core_type = #tpu.core_type<tc>} {
    %get3A = arith.constant 0 : index
    %get3A_0 = arith.constant 0 : index
    %get3A_1 = vector.load %arg0[%get3A, %get3A_0] : memref<10000x128xf32, #tpu.memory_space<vmem>>, vector<10000x128xf32>
    %get3A_2 = arith.constant 0 : index
    %get3A_3 = arith.constant 0 : index
    %get3A_4 = arith.constant 0 : index
    %get3A_5 = vector.load %arg1[%get3A_2, %get3A_3, %get3A_4] : memref<2x10240x128xf32, #tpu.memory_space<vmem>>, vector<1x10000x128xf32>
    %get3A_6 = vector.shape_cast %get3A_5 : vector<1x10000x128xf32> to vector<10000x128xf32>
    %add3A = arith.addf %get3A_1, %get3A_6 : vector<10000x128xf32>
    %get3A_7 = arith.constant 1 : index
    %get3A_8 = arith.constant 0 : index
    %get3A_9 = arith.constant 0 : index
    %get3A_10 = vector.load %arg1[%get3A_7, %get3A_8, %get3A_9] : memref<2x10240x128xf32, #tpu.memory_space<vmem>>, vector<1x10000x128xf32>
    %get3A_11 = vector.shape_cast %get3A_10 : vector<1x10000x128xf32> to vector<10000x128xf32>
    %add3A_12 = arith.addf %add3A, %get3A_11 : vector<10000x128xf32>
    %get3A_13 = arith.constant 0 : index
    %get3A_14 = arith.constant 0 : index
    %get3A_15 = vector.load %arg2[%get3A_13, %get3A_14] : memref<128x128xf32, #tpu.memory_space<vmem>>, vector<128x128xf32>
    %dot_general3A = arith.constant dense<0.000000e+00> : vector<10000x128xf32>
    %dot_general3A_16 = tpu.matmul %add3A_12, %get3A_15, %dot_general3A {dimension_numbers = #tpu.dot_dimension_numbers<[1], [0], [0], [1], [0, 0, 1, 1], [], []>, transpose_lhs_hint = false} : vector<10000x128xf32>, vector<128x128xf32>, vector<10000x128xf32> -> vector<10000x128xf32>
    %get3A_17 = arith.constant 0 : index
    %get3A_18 = arith.constant 0 : index
    %get3A_19 = vector.load %arg3[%get3A_17, %get3A_18] : memref<1x128xf32, #tpu.memory_space<vmem>>, vector<1x128xf32>
    %add3A_20 = vector.broadcast %get3A_19 : vector<1x128xf32> to vector<10000x128xf32>
    %add3A_21 = arith.addf %dot_general3A_16, %add3A_20 : vector<10000x128xf32>
    %max3A = arith.constant 0.000000e+00 : f32
    %max3A_22 = vector.broadcast %max3A : f32 to vector<10000x128xf32>
    %max3A_23 = arith.maximumf %add3A_21, %max3A_22 : vector<10000x128xf32>
    %get3A_24 = arith.constant 0 : index
    %get3A_25 = arith.constant 0 : index
    %get3A_26 = vector.load %arg4[%get3A_24, %get3A_25] : memref<128x128xf32, #tpu.memory_space<vmem>>, vector<128x128xf32>
    %dot_general3A_27 = arith.constant dense<0.000000e+00> : vector<10000x128xf32>
    %dot_general3A_28 = tpu.matmul %max3A_23, %get3A_26, %dot_general3A_27 {dimension_numbers = #tpu.dot_dimension_numbers<[1], [0], [0], [1], [0, 0, 1, 1], [], []>, transpose_lhs_hint = false} : vector<10000x128xf32>, vector<128x128xf32>, vector<10000x128xf32> -> vector<10000x128xf32>
    %get3A_29 = arith.constant 0 : index
    %get3A_30 = arith.constant 0 : index
    %get3A_31 = vector.load %arg5[%get3A_29, %get3A_30] : memref<1x128xf32, #tpu.memory_space<vmem>>, vector<1x128xf32>
    %add3A_32 = vector.broadcast %get3A_31 : vector<1x128xf32> to vector<10000x128xf32>
    %add3A_33 = arith.addf %dot_general3A_28, %add3A_32 : vector<10000x128xf32>
    %max3A_34 = arith.constant 0.000000e+00 : f32
    %max3A_35 = vector.broadcast %max3A_34 : f32 to vector<10000x128xf32>
    %max3A_36 = arith.maximumf %add3A_33, %max3A_35 : vector<10000x128xf32>
    %reduce_sum3A = arith.constant dense<0.000000e+00> : vector<128xf32>
    %reduce_sum3A_37 = vector.multi_reduction <add>, %max3A_36, %reduce_sum3A [0] : vector<10000x128xf32> to vector<128xf32>
    %broadcast_in_dim3A = vector.shape_cast %reduce_sum3A_37 : vector<128xf32> to vector<1x128xf32>
    %mul3A = arith.constant 9.99999974E-5 : f32
    %mul3A_38 = vector.broadcast %mul3A : f32 to vector<1x128xf32>
    %mul3A_39 = arith.mulf %broadcast_in_dim3A, %mul3A_38 : vector<1x128xf32>
    %sub3A = vector.broadcast %mul3A_39 : vector<1x128xf32> to vector<10000x128xf32>
    %sub3A_40 = arith.subf %max3A_36, %sub3A : vector<10000x128xf32>
    %mul3A_41 = arith.mulf %sub3A_40, %sub3A_40 : vector<10000x128xf32>
    %reduce_sum3A_42 = arith.constant dense<0.000000e+00> : vector<128xf32>
    %reduce_sum3A_43 = vector.multi_reduction <add>, %mul3A_41, %reduce_sum3A_42 [0] : vector<10000x128xf32> to vector<128xf32>
    %broadcast_in_dim3A_44 = vector.shape_cast %reduce_sum3A_43 : vector<128xf32> to vector<1x128xf32>
    %mul3A_45 = arith.constant 9.99999974E-5 : f32
    %mul3A_46 = vector.broadcast %mul3A_45 : f32 to vector<1x128xf32>
    %mul3A_47 = arith.mulf %broadcast_in_dim3A_44, %mul3A_46 : vector<1x128xf32>
    %add3A_48 = arith.constant 9.99999974E-6 : f32
    %add3A_49 = vector.broadcast %add3A_48 : f32 to vector<1x128xf32>
    %add3A_50 = arith.addf %mul3A_47, %add3A_49 : vector<1x128xf32>
    %rsqrt3A = math.rsqrt %add3A_50 : vector<1x128xf32>
    %get3A_51 = arith.constant 0 : index
    %get3A_52 = arith.constant 0 : index
    %get3A_53 = vector.load %arg6[%get3A_51, %get3A_52] : memref<1x128xf32, #tpu.memory_space<vmem>>, vector<1x128xf32>
    %mul3A_54 = vector.broadcast %get3A_53 : vector<1x128xf32> to vector<10000x128xf32>
    %mul3A_55 = arith.mulf %mul3A_54, %sub3A_40 : vector<10000x128xf32>
    %mul3A_56 = vector.broadcast %rsqrt3A : vector<1x128xf32> to vector<10000x128xf32>
    %mul3A_57 = arith.mulf %mul3A_55, %mul3A_56 : vector<10000x128xf32>
    %get3A_58 = arith.constant 0 : index
    %get3A_59 = arith.constant 0 : index
    %get3A_60 = vector.load %arg7[%get3A_58, %get3A_59] : memref<1x128xf32, #tpu.memory_space<vmem>>, vector<1x128xf32>
    %add3A_61 = vector.broadcast %get3A_60 : vector<1x128xf32> to vector<10000x128xf32>
    %add3A_62 = arith.addf %mul3A_57, %add3A_61 : vector<10000x128xf32>
    %swap3A = arith.constant 0 : index
    %swap3A_63 = arith.constant 0 : index
    %swap3A_64 = vector.load %arg8[%swap3A, %swap3A_63] : memref<10000x128xf32, #tpu.memory_space<vmem>>, vector<10000x128xf32>
    tpu.vector_store %arg8[%swap3A, %swap3A_63], %add3A_62 {strides = array<i32>} : memref<10000x128xf32, #tpu.memory_space<vmem>>, vector<10000x128xf32>,
    return
  }
}

</mosaic_0001>

<sc_bundles>
// kernel: kernel.4.cloned.1.call-start
scs
__scs_entry_jumppad:
0x0: {  	(pc) =	sbr.rel $0x88, $3  }
0x1: {  	(tag) =	ssettag $0x0;
	lr =	simm.s32 $0x1  }
0x2: {  	[smem:$0x3F99] =	sst lr;
	_ =	strace $0xD0000000  }
0x3: {  	_ = 	snop  }
0x4: {  	_ = 	snop  }
0x5: {  	_ = 	snop  }
0x6: {  	_ = 	snop  }
0x7: {  	_ = 	snop  }
__scs_overlays_trampoline_lowered:
0x8: {  	[smem:$0x3FA8] =	sst s0  }
0x9: {  	[smem:$0x3FA9] =	sst s1  }
0xa: {  	[smem:$0x3FAA] =	sst s2  }
0xb: {  	[smem:$0x3FAB] =	sst s3  }
0xc: {  	[smem:$0x3FAC] =	sst s4  }
0xd: {  	[smem:$0x3FAD] =	sst s5  }
0xe: {  	[smem:$0x3FAE] =	sst s6  }
0xf: {  	[smem:$0x3FAF] =	sst s7  }
0x10: {  	[smem:$0x3FB0] =	sst s8  }
0x11: {  	[smem:$0x3FB1] =	sst s9;
	s0 =	simm.s32 @!p0 $0x0  }
0x12: {  	s1 =	sld [smem:$0x3F97];
	s0 =	simm.s32 @p0 $0x1  }
0x13: {  	[smem:$0x3FB2] =	sst s0;
	s0 =	simm.s32 @!p1 $0x0  }
0x14: {  	s2 =	sld [smem:$0x3F96];
	s0 =	simm.s32 @p1 $0x1  }
0x15: {  	[smem:$0x3FB3] =	sst s0;
	s0 =	simm.s32 @!p2 $0x0  }
0x16: {  	s3 =	sld [smem:$0x3FDB];
	s0 =	simm.s32 @p2 $0x1  }
0x17: {  	s4 =	simm.s32 $0x1BF5;
	[smem:$0x3FB5] =	sst s0  }
0x18: {  	s0 =	sld [smem:$0x3F98];
	_ =	swait.ge [sflag:s4], $0x0  }
0x19: {  	s7 =	sld [smem:$0x3F99]  }
0x1a: {  	s8 =	sadd.s32 $0xFFFFE003, lr  }
0x1b: {  	s9 =	sadd.s32 $0xFFFFFEF7, lr;
	s5 =	simm.s32 $0xFFFFFFFF;
	p2 =	slt.u32 s8, $0xFFFFF086  }
0x1c: {  	p1 =	slt.u32 s9, $0xF7A;
	s5 =	simm.s32 @!p2 $0x0  }
0x1d: {  	s5 =	simm.s32 @p1 $0x1;
	p0 =	seq.s32 s7, s2  }
0x1e: {  	s7 =	smul.u32 @!p0 $0xF7A, s2;
	p2 =	seq.s32 @!p0 s5, $0x0  }
0x1f: {  	s9 =	smul.u32 $0xF7A, s1;
	s8 =	simm.s32 @!p0 $0x1BF5;
	p2 =	por !p2, p0  }
0x20: {  	[sflag:s8] =	ssyncset.s32 @!p0 $0xFFFFF086;
	s6 =	sadd.s32 @!p0 s3, s7;
	s7 =	simm.s32 @!p0 $0x108  }
0x21: {  	s3 =	sadd.s32 s3, s9;
	s6 =	sadd.s32 @!p0 $0x88, s6;
	s7 =	simm.s32 @p2 $0x1082  }
0x22: {  	[simem:s7], [sflag:s8] =	dma.local @!p0 [hbm:s6], $0xF7A  }
0x23: {  	s9 =	sor.u32 $0xD0000000, s2;
	s6 =	simm.s32 $0x108;
	_ =	swait.ge @!p0 [sflag:s8], $0x0  }
0x24: {  	s3 =	sadd.s32 $0x88, s3;
	s6 =	simm.s32 @!p1 $0x1082;
	[sflag:s4] =	ssyncset.s32 $0xFFFFF086  }
0x25: {  	[simem:s6], [sflag:s4] =	dma.local [hbm:s3], $0xF7A  }
0x26: {  	[smem:$0x3F99] =	sst s1;
	(tag) =	ssettag s2;
	_ =	strace s9  }
0x27: {  	s1 =	sld [smem:$0x3FA9]  }
0x28: {  	s2 =	sld [smem:$0x3FAA]  }
0x29: {  	s4 =	sld [smem:$0x3FAC]  }
0x2a: {  	p0 =	seq.s32 s5, $0x0;
	s5 =	sld [smem:$0x3FAD]  }
0x2b: {  	s6 =	sld [smem:$0x3FAE]  }
0x2c: {  	s7 =	sld [smem:$0x3FAF]  }
0x2d: {  	s3 =	simm.s32 $0x108;
	s8 =	sld [smem:$0x3FB0]  }
0x2e: {  	s3 =	simm.s32 @!p0 $0x1082;
	s9 =	sld [smem:$0x3FB1]  }
0x2f: {  	lr =	sadd.s32 s0, s3;
	s0 =	sld [smem:$0x3FA8]  }
0x30: {  	s3 =	sld [smem:$0x3FAB]  }
0x31: {  	[smem:$0x3FB4] =	sst s10  }
0x32: {  	s10 =	sld [smem:$0x3FB2];
	_ =	sdelay $0x3  }
0x33: {  	p0 =	seq.s32 s10, $0x1;
	s10 =	sld [smem:$0x3FB4];
	_ =	sdelay $0x3  }
0x34: {  	[smem:$0x3FB4] =	sst s10  }
0x35: {  	s10 =	sld [smem:$0x3FB3];
	_ =	sdelay $0x3  }
0x36: {  	p1 =	seq.s32 s10, $0x1;
	s10 =	sld [smem:$0x3FB4];
	_ =	sdelay $0x3  }
0x37: {  	[smem:$0x3FB4] =	sst s10  }
0x38: {  	s10 =	sld [smem:$0x3FB5]  }
0x39: {  	_ = 	snop;
	(pc) =	sbr.ind lr, $3  }
0x3a: {  	_ = 	snop  }
0x3b: {  	_ = 	snop  }
0x3c: {  	p2 =	seq.s32 s10, $0x1;
	s10 =	sld [smem:$0x3FB4]  }
0x3d: {  	_ =	shalt  }
0x3e: {  	_ =	shalt  }
0x3f: {  	_ =	shalt  }
0x40: {  	_ =	shalt  }
0x41: {  	_ =	shalt  }
0x42: {  	_ =	shalt  }
0x43: {  	_ =	shalt  }
0x44: {  	_ =	shalt  }
0x45: {  	_ =	shalt  }
0x46: {  	_ =	shalt  }
0x47: {  	_ =	shalt  }
0x48: {  	_ =	shalt  }
0x49: {  	_ =	shalt  }
0x4a: {  	_ =	shalt  }
0x4b: {  	_ =	shalt  }
0x4c: {  	_ =	shalt  }
0x4d: {  	_ =	shalt  }
0x4e: {  	_ =	shalt  }
0x4f: {  	_ =	shalt  }
0x50: {  	_ =	shalt  }
0x51: {  	_ =	shalt  }
0x52: {  	_ =	shalt  }
0x53: {  	_ =	shalt  }
0x54: {  	_ =	shalt  }
0x55: {  	_ =	shalt  }
0x56: {  	_ =	shalt  }
0x57: {  	_ =	shalt  }
0x58: {  	_ =	shalt  }
0x59: {  	_ =	shalt  }
0x5a: {  	_ =	shalt  }
0x5b: {  	_ =	shalt  }
0x5c: {  	_ =	shalt  }
0x5d: {  	_ =	shalt  }
0x5e: {  	_ =	shalt  }
0x5f: {  	_ =	shalt  }
0x60: {  	_ =	shalt  }
0x61: {  	_ =	shalt  }
0x62: {  	_ =	shalt  }
0x63: {  	_ =	shalt  }
0x64: {  	_ =	shalt  }
0x65: {  	_ =	shalt  }
0x66: {  	_ =	shalt  }
0x67: {  	_ =	shalt  }
0x68: {  	_ =	shalt  }
0x69: {  	_ =	shalt  }
0x6a: {  	_ =	shalt  }
0x6b: {  	_ =	shalt  }
0x6c: {  	_ =	shalt  }
0x6d: {  	_ =	shalt  }
0x6e: {  	_ =	shalt  }
0x6f: {  	_ =	shalt  }
0x70: {  	_ =	shalt  }
0x71: {  	_ =	shalt  }
0x72: {  	_ =	shalt  }
0x73: {  	_ =	shalt  }
0x74: {  	_ =	shalt  }
0x75: {  	_ =	shalt  }
0x76: {  	_ =	shalt  }
0x77: {  	_ =	shalt  }
0x78: {  	_ =	shalt  }
0x79: {  	_ =	shalt  }
0x7a: {  	_ =	shalt  }
0x7b: {  	_ =	shalt  }
0x7c: {  	_ =	shalt  }
0x7d: {  	_ =	shalt  }
0x7e: {  	_ =	shalt  }
0x7f: {  	_ =	shalt  }
0x80: {  	_ =	shalt  }
0x81: {  	_ =	shalt  }
0x82: {  	_ =	shalt  }
0x83: {  	_ =	shalt  }
0x84: {  	_ =	shalt  }
0x85: {  	_ =	shalt  }
0x86: {  	_ =	shalt  }
0x87: {  	_ =	shalt  }
.Lfunc_end0:
.L_simem_size_0:
called_computation_lowered:
.L_overlay_start_0:
0x88: {  	s2 =	sld [smem:$0x3FD9]  }
0x89: {  	s3 =	sld [smem:$0x3FFE];
	_ =	sdelay $0x1  }
0x8a: {  	s1 =	srdreg.scid  }
0x8b: {  	s0 =	sand.u32 $0x1, s1  }
0x8c: {  	s17 =	sshll.u32 s0, $0xA;
	s2 =	sadd.s32 s3, s2  }
0x8d: {  	s2 =	sadd.s32 s2, s17  }
0x8e: {  	[smem:$0x3FC0] =	sst s2  }
0x8f: {  	_ = 	snop  }
0x90: {  	s2 =	sld [smem:$0x3FC9]  }
0x91: {  	s18 =	sld [smem:$0x3FD0];
	(tm) =	ssettm $0x1  }
0x92: {  	s4 =	sld [smem:$0x3FFB];
	_ =	sdelay $0x3  }
0x93: {  	_ =	strace s4  }
0x94: {  	s4 =	sld [smem:$0x3FFC];
	_ =	sdelay $0x3  }
0x95: {  	_ =	strace s4  }
0x96: {  	s4 =	sld [smem:$0x3FFD];
	_ =	sdelay $0x3  }
0x97: {  	_ =	strace s4  }
0x98: {  	_ =	strace $0x8FFFFFFF  }
0x99: {  	s19 =	sld [smem:$0x3FDB];
	_ =	sdelay $0x1  }
0x9a: {  	s5 =	simm.s32 $_scs_section_size  }
0x9b: {  	s6 =	simm.s32 $_size__tile_overlayer_lowered;
	s7 =	simm.s32 $_tile_overlayer_lowered  }
0x9c: {  	s22 =	simm.s32 $0x1BFF;
	s21 =	sshll.u32 s7, $0x1;
	s4 =	sadd.s32 s5, s19  }
0x9d: {  	s8 =	simm.s32 $0x0;
	s20 =	sshll.u32 s6, $0x1;
	s6 =	sadd.s32 s21, s4  }
0x9e: {  	[timem:s8], [sflag:s22] =	dma.local [hbm:s6], s20  }
0x9f: {  	_ =	swait.ge [sflag:s22], s20  }
0xa0: {  	s5 =	ssub.s32 $0x0, s20;
	[sflag:s22] =	ssyncset.done $0x0  }
0xa1: {  	[sflag:s22] =	ssyncadd.s32 s5;
	_ =	sdelay $0x1  }
0xa2: {  	s23 =	simm.s32 $0x1B8B  }
0xa3: {  	_ =	swait.ge [sflag:s23], $0x1  }
0xa4: {  	[sflag:s23] =	ssyncset.done $0x0  }
0xa5: {  	s25 =	simm.s32 $0x1B8E;
	s24 =	sld [smem:$0x3FFE];
	[sflag:s23] =	ssyncadd.s32 $0xFFFFFFFF  }
0xa6: {  	s26 =	simm.s32 $execute0_lowered;
	[smem:$0x3FD2] =	sst s25  }
0xa7: {  	s6 =	sshll.u32 s26, $0x1;
	_ =	strace $0x80000046;
	[dreg:$0x1] =	wrdreg $0xFFFFFFFF  }
0xa8: {  	s28 =	simm.s32 $_size_execute0_lowered;
	s4 =	sadd.s32 s4, s6;
	[dreg:$0x0] =	wrdreg $0x0  }
0xa9: {  	s6 =	sshll.u32 s28, $0x1;
	[dreg:$0x2] =	wrdreg s4  }
0xaa: {  	[dreg:$0x3] =	wrdreg s6  }
0xab: {  	[dreg:$0x4] =	wrdreg $0xC0  }
0xac: {  	_ =	task [dreg:s8], $0x5FFFF  }
0xad: {  	[dreg:$0x1] =	wrdreg $0xFFFFFFFF  }
0xae: {  	[dreg:$0x0] =	wrdreg $0x60  }
0xaf: {  	[dreg:$0x2] =	wrdreg s2  }
0xb0: {  	[dreg:$0x3] =	wrdreg s18  }
0xb1: {  	[dreg:$0x4] =	wrdreg s24  }
0xb2: {  	[dreg:$0x5] =	wrdreg $0x7E000  }
0xb3: {  	[dreg:$0x6] =	wrdreg $0x9  }
0xb4: {  	_ =	task.clear_ibuf [dreg:s8], $0x7FFFF;
	_ =	strace $0x90000046  }
0xb5: {  	s29 =	simm.s32 $0x9;
	_ =	strace $0x80000048  }
0xb6: {  	_ =	swait.ge [sflag:s29], $0x1  }
0xb7: {  	[sflag:s29] =	ssyncadd.s32 $0xFFFFFFFF  }
0xb8: {  	_ =	strace $0x90000048  }
0xb9: {  	_ =	sfence  }
0xba: {  	s30 =	sld [smem:$0x0];
	_ =	sdelay $0x2  }
0xbb: {  	s31 =	sshll.u32 s1, $0xD;
	s1 =	sshrl.u32 s1, $0x2  }
0xbc: {  	s3 =	sand.u32 $0x4000, s31;
	s1 =	sadd.s32 s1, s30  }
0xbd: {  	s0 =	sor.u32 s3, s0;
	s1 =	sshll.u32 s1, $0x11  }
0xbe: {  	s0 =	sor.u32 s1, s0  }
0xbf: {  	s0 =	sadd.s32 $0x8F2B, s0  }
0xc0: {  	[sflag:s0] =	ssyncadd.remote.s32 $0x1  }
0xc1: {  	_ =	sfence.sel $0xFFFF  }
0xc2: {  	[dreg:$0x0] =	wrdreg $0xFFFFFFFF;
	(pc) =	sbr.abs _section_cstart, $3  }
0xc3: {  	[dreg:$0x1] =	wrdreg $0xFFFFFFFF  }
0xc4: {  	_ =	task.clear_ibuf [dreg:s8], $0x2FFFF;
	_ =	strace $0x9FFFFFFF  }
0xc5: {  	(tm) =	ssettm $0x7FFFFFFF  }
tec
execute0_lowered:
.L_overlay_start_1:
0x0: {  	(tag) =	ssettag $0x1  }
0x1: {  	s1 =	rddreg [dreg:$0x0]  }
0x2: {  	s0 =	rddreg [dreg:$0x1]  }
0x3: {  	s2 =	rddreg [dreg:$0x2]  }
0x4: {  	s3 =	rddreg [dreg:$0x3]  }
0x5: {  	s5 =	srdreg.scid;
	s9 =	stileid.u32  }
0x6: {  	s4 =	simm.s32 $0x0;
	s21 =	simm.s32 $0x80;
	s22 =	simm.s32 $0x8  }
0x7: {  	s23 =	simm.s32 $0x280;
	s28 =	simm.s32 $0x1;
	s29 =	simm.s32 $0x400  }
0x8: {  	s30 =	simm.s32 $0x4;
	s31 =	simm.s32 $0x2;
	s10 =	smul.u32 $0x50000, s9  }
0x9: {  	s6 =	sand.u32 $0x1, s5;
	[smem:$0x7FF] =	sst s4;
	s24 =	smul.u32 $0x2800, s9  }
0xa: {  	s17 =	sshll.u32 s9, $0xC;
	s9 =	simm.s32 $0x300;
	s7 =	smul.u32 $0x28000, s6  }
0xb: {  	_ =	strace $0x80000047;
	s8 =	ssub.s32 $0x2, s6;
	s5 =	sshrl.u32 s10, $0x2  }
0xc: {  	s6 =	sshll.u32 s6, $0xB;
	s11 =	sshrl.u32 s8, $0x1;
	s5 =	sadd.s32 s5, s3  }
0xd: {  	s0 =	sadd.s32 s0, s6;
	s6 =	simm.s32 $0x500;
	s12 =	sadd.s32 $0x2800, s5  }
0xe: {  	s10 =	simm.s32 $0x0;
	s13 =	sadd.s32 $0x5000, s5;
	[dreg:$0x5] =	wrdreg s12  }
0xf: {  	s2 =	sadd.s32 s7, s2;
	s14 =	sadd.s32 $0x7800, s5;
	[dreg:$0x6] =	wrdreg s13  }
0x10: {  	s7 =	ssub.s32 s8, s11;
	s15 =	sadd.s32 $0xA000, s5;
	[dreg:$0x7] =	wrdreg s14  }
0x11: {  	s8 =	simm.s32 $0x9;
	s16 =	sadd.s32 $0xC800, s5;
	[dreg:$0x8] =	wrdreg s15  }
0x12: {  	s18 =	sadd.s32 $0xF000, s5;
	s19 =	sadd.s32 $0x11800, s5;
	[dreg:$0x9] =	wrdreg s16  }
0x13: {  	s20 =	sadd.s32 $0x1600, s2;
	s25 =	smax.u32 s7, $0x1;
	[dreg:$0xa] =	wrdreg s18  }
0x14: {  	s2 =	simm.s32 $0x5;
	s7 =	simm.s32 $0x5600;
	[dreg:$0xb] =	wrdreg s19  }
.Ltmp0:
0x15: {  	s13 =	sadd.s32 s17, s0;
	[dreg:$0xc] =	wrdreg s25;
	(pc) =	sbr.rel .LBB2_1-.Ltmp0, $4  }
0x16: {  	s15 =	simm.s32 $0x600;
	s16 =	simm.s32 $0xA;
	s17 =	simm.s32 $0x7  }
0x17: {  	s18 =	simm.s32 $0x50;
	s19 =	simm.s32 $0x200;
	s0 =	sadd.s32 s24, s20  }
0x18: {  	s25 =	simm.s32 $0x2E00;
	s26 =	sadd.s32 $0x10, s13;
	[dreg:$0xe] =	wrdreg s0  }
0x19: {  	v0 =	vimm.f32 $0.0e+00;
	s0 =	simm.s32 $0x480;
	[dreg:$0xd] =	wrdreg s26;
	s26 =	simm.s32 $0x3  }
.LBB2_8:
0x1a: {  	_ =	swait.ge [sflag:s31], $0x2800  }
0x1b: {  	[sflag:s31] =	ssyncset.done $0x0  }
0x1c: {  	[sflag:s31] =	ssyncadd.s32 $0xFFFFD800  }
0x1d: {  	[spmem:s3] =	stream.indirect.scatter.add.f32 [tilespmem:s25], [sflag:$0x5], $0x80, s0, s18, $0xb8;
	[tilespmem:$0x1BE00] =	vst v63  }
.LBB2_6:
0x1e: {  	_ =	swait.ge [sflag:s2], $0x2800  }
0x1f: {  	[sflag:s2] =	ssyncset.done $0x0  }
0x20: {  	s11 =	stileid.u32;
	[sflag:s2] =	ssyncadd.s32 $0xFFFFD800  }
0x21: {  	s11 =	sshll.u32 s11, $0x6;
	[bflag:$0x0] =	sbarrier.arrive $0xFFFF  }
0x22: {  	s12 =	sshrl.u32 s5, $0x3;
	s11 =	sor.u32 $0x1C0A, s11;
	s14 =	rddreg [dreg:$0xe]  }
0x23: {  	[hbm:s14], [sflag:s11] =	dma.local [spmem:s12], $0x2800  }
0x24: {  	_ =	swait.ge [sflag:s16], $0x2800  }
0x25: {  	s10 =	sadd.s32 $0x1, s10;
	s24 =	rddreg [dreg:$0xc]  }
0x26: {  	p0 =	sne.s32 s10, s24  }
.Ltmp1:
0x27: {  	_ = 	snop;
	(pc) =	sbr.rel @!p0 .LBB2_7-.Ltmp1, $3  }
0x28: {  	_ =	sdelay $0x1  }
0x29: {  	[sflag:s16] =	ssyncset.done $0x0  }
0x2a: {  	[sflag:s16] =	ssyncadd.s32 $0xFFFFD800  }
.LBB2_1:
0x2b: {  	s11 =	simm.s32 $0x0;
	s12 =	simm.s32 $0x200  }
.LBB2_2:
0x2c: {  	p0 =	sne.s32 s12, $0x9E00;
	[tilespmem:s11+$0x670] =	vst v0  }
0x2d: {  	[tilespmem:s11+$0x600] =	vst v0  }
0x2e: {  	[tilespmem:s11+$0x610] =	vst v0  }
.Ltmp2:
0x2f: {  	[tilespmem:s11+$0x620] =	vst v0;
	(pc) =	sbr.rel @p0 .LBB2_2-.Ltmp2, $4  }
0x30: {  	[tilespmem:s11+$0x630] =	vst v0  }
0x31: {  	[tilespmem:s11+$0x640] =	vst v0  }
0x32: {  	[tilespmem:s11+$0x650] =	vst v0  }
0x33: {  	[tilespmem:s11+$0x660] =	vst v0;
	s11 =	sshra.s32 s12, $0x2;
	s12 =	sadd.s32 $0x200, s12  }
0x34: {  	[tilespmem:s11+$0x670] =	vst v0  }
0x35: {  	[tilespmem:s11+$0x600] =	vst v0  }
0x36: {  	[tilespmem:s11+$0x610] =	vst v0  }
0x37: {  	[tilespmem:s11+$0x620] =	vst v0  }
0x38: {  	[tilespmem:s11+$0x630] =	vst v0  }
0x39: {  	[tilespmem:s11+$0x640] =	vst v0  }
0x3a: {  	[tilespmem:s11+$0x650] =	vst v0  }
0x3b: {  	[tilespmem:s11+$0x660] =	vst v0  }
0x3c: {  	[spmem:s5] =	stream.linear.scatter [tilespmem:s15], [sflag:$0xA], $0x2800, $0x38;
	[tilespmem:$0x1BE00] =	vst v63  }
0x3d: {  	_ =	swait.ge [sflag:s16], $0x2800  }
0x3e: {  	[sflag:s16] =	ssyncset.done $0x0  }
0x3f: {  	s12 =	rddreg [dreg:$0x5];
	[sflag:s16] =	ssyncadd.s32 $0xFFFFD800  }
0x40: {  	[spmem:s12] =	stream.linear.scatter [tilespmem:s15], [sflag:$0xA], $0x2800, $0x38;
	[tilespmem:$0x1BE00] =	vst v63  }
0x41: {  	_ =	swait.ge [sflag:s16], $0x2800  }
0x42: {  	[sflag:s16] =	ssyncset.done $0x0  }
0x43: {  	s14 =	rddreg [dreg:$0x6];
	[sflag:s16] =	ssyncadd.s32 $0xFFFFD800  }
0x44: {  	[spmem:s14] =	stream.linear.scatter [tilespmem:s15], [sflag:$0xA], $0x2800, $0x38;
	[tilespmem:$0x1BE00] =	vst v63  }
0x45: {  	_ =	swait.ge [sflag:s16], $0x2800  }
0x46: {  	[sflag:s16] =	ssyncset.done $0x0  }
0x47: {  	s20 =	rddreg [dreg:$0x7];
	[sflag:s16] =	ssyncadd.s32 $0xFFFFD800  }
0x48: {  	[spmem:s20] =	stream.linear.scatter [tilespmem:s15], [sflag:$0xA], $0x2800, $0x38;
	[tilespmem:$0x1BE00] =	vst v63  }
0x49: {  	_ =	swait.ge [sflag:s16], $0x2800  }
0x4a: {  	[sflag:s16] =	ssyncset.done $0x0  }
0x4b: {  	s24 =	rddreg [dreg:$0x8];
	[sflag:s16] =	ssyncadd.s32 $0xFFFFD800  }
0x4c: {  	[spmem:s24] =	stream.linear.scatter [tilespmem:s15], [sflag:$0xA], $0x2800, $0x38;
	[tilespmem:$0x1BE00] =	vst v63  }
0x4d: {  	_ =	swait.ge [sflag:s16], $0x2800  }
0x4e: {  	[sflag:s16] =	ssyncset.done $0x0  }
0x4f: {  	s12 =	rddreg [dreg:$0x9];
	[sflag:s16] =	ssyncadd.s32 $0xFFFFD800  }
0x50: {  	[spmem:s12] =	stream.linear.scatter [tilespmem:s15], [sflag:$0xA], $0x2800, $0x38;
	[tilespmem:$0x1BE00] =	vst v63  }
0x51: {  	_ =	swait.ge [sflag:s16], $0x2800  }
0x52: {  	[sflag:s16] =	ssyncset.done $0x0  }
0x53: {  	s14 =	rddreg [dreg:$0xa];
	[sflag:s16] =	ssyncadd.s32 $0xFFFFD800  }
0x54: {  	[spmem:s14] =	stream.linear.scatter [tilespmem:s15], [sflag:$0xA], $0x2800, $0x38;
	[tilespmem:$0x1BE00] =	vst v63  }
0x55: {  	_ =	swait.ge [sflag:s16], $0x2800  }
0x56: {  	[sflag:s16] =	ssyncset.done $0x0  }
0x57: {  	s20 =	rddreg [dreg:$0xb];
	[sflag:s16] =	ssyncadd.s32 $0xFFFFD800  }
0x58: {  	[spmem:s20] =	stream.linear.scatter [tilespmem:s15], [sflag:$0xA], $0x2800, $0x38;
	[tilespmem:$0x1BE00] =	vst v63  }
0x59: {  	_ =	swait.ge [sflag:s16], $0x2800  }
0x5a: {  	[sflag:s16] =	ssyncset.done $0x0  }
0x5b: {  	[sflag:s16] =	ssyncadd.s32 $0xFFFFD800  }
0x5c: {  	s11 =	simm.s32 $0x0;
	[bflag:$0x0] =	sbarrier.arrive $0xFFFF  }
0x5d: {  	[tilespmem:s11], [sflag:$0x7] =	stream.linear.gather [hbm4b:s13+s11], $0x80, $0x38;
	[tilespmem:$0x1BE00] =	vst v63  }
0x5e: {  	_ =	swait.ge [sflag:s17], $0x80  }
0x5f: {  	[sflag:s17] =	ssyncset.done $0x0  }
0x60: {  	[sflag:s17] =	ssyncadd.s32 $0xFFFFFF80  }
0x61: {  	v1 =	vld [tilespmem:$0x0];
	_ =	sdelay $0x1  }
0x62: {  	v2 =	vld [tilespmem:$0x10];
	_ =	sdelay $0x1  }
0x63: {  	v3 =	vld [tilespmem:$0x20]  }
0x64: {  	v4 =	vand.u32 $0xFFFF, v1  }
0x65: {  	v61 =	vld [tilespmem:$0x30];
	v1 =	vshrl.u32 v1, $0x10;
	[tilespmem:$0x200] =	vst v4  }
0x66: {  	[tilespmem:$0x400] =	vst v1;
	v1 =	vand.u32 $0xFFFF, v2  }
0x67: {  	[tilespmem:$0x210] =	vst v1;
	v1 =	vshrl.u32 v2, $0x10;
	v2 =	vld [tilespmem:$0x40]  }
0x68: {  	[tilespmem:$0x410] =	vst v1;
	v1 =	vand.u32 $0xFFFF, v3  }
0x69: {  	[tilespmem:$0x220] =	vst v1;
	v1 =	vshrl.u32 v3, $0x10  }
0x6a: {  	[tilespmem:$0x420] =	vst v1;
	v1 =	vand.u32 $0xFFFF, v61  }
0x6b: {  	[tilespmem:$0x230] =	vst v1;
	v1 =	vshrl.u32 v61, $0x10  }
0x6c: {  	[tilespmem:$0x430] =	vst v1;
	v1 =	vand.u32 $0xFFFF, v2  }
0x6d: {  	[tilespmem:$0x240] =	vst v1;
	v1 =	vshrl.u32 v2, $0x10  }
0x6e: {  	[tilespmem:$0x440] =	vst v1  }
0x6f: {  	[tilespmem:s15], [sflag:$0x1] =	stream.indirect.gather [hbm4b:s1+s18], $0x80, s19, s18, $0xb8;
	[tilespmem:$0x1BE00] =	vst v63  }
0x70: {  	s12 =	rddreg [dreg:$0xd]  }
0x71: {  	[tilespmem:s21], [sflag:$0x8] =	stream.linear.gather [hbm4b:s12+s11], $0x80, $0x38;
	[tilespmem:$0x1BE00] =	vst v63  }
0x72: {  	_ =	swait.ge [sflag:s22], $0x80  }
0x73: {  	[sflag:s22] =	ssyncset.done $0x0  }
0x74: {  	[sflag:s22] =	ssyncadd.s32 $0xFFFFFF80  }
0x75: {  	v1 =	vld [tilespmem:$0x80];
	_ =	sdelay $0x1  }
0x76: {  	v2 =	vld [tilespmem:$0x90];
	_ =	sdelay $0x1  }
0x77: {  	v3 =	vld [tilespmem:$0xA0]  }
0x78: {  	v62 =	vand.u32 $0xFFFF, v1  }
0x79: {  	v63 =	vld [tilespmem:$0xB0];
	v1 =	vshrl.u32 v1, $0x10;
	[tilespmem:$0x280] =	vst v62  }
0x7a: {  	[tilespmem:$0x480] =	vst v1;
	v1 =	vand.u32 $0xFFFF, v2  }
0x7b: {  	[tilespmem:$0x290] =	vst v1;
	v1 =	vshrl.u32 v2, $0x10;
	v2 =	vld [tilespmem:$0xC0]  }
0x7c: {  	[tilespmem:$0x490] =	vst v1;
	v1 =	vand.u32 $0xFFFF, v3  }
0x7d: {  	[tilespmem:$0x2A0] =	vst v1;
	v1 =	vshrl.u32 v3, $0x10  }
0x7e: {  	[tilespmem:$0x4A0] =	vst v1;
	v1 =	vand.u32 $0xFFFF, v63  }
0x7f: {  	[tilespmem:$0x2B0] =	vst v1;
	v1 =	vshrl.u32 v63, $0x10  }
0x80: {  	[tilespmem:$0x4B0] =	vst v1;
	v1 =	vand.u32 $0xFFFF, v2  }
0x81: {  	[tilespmem:$0x2C0] =	vst v1;
	v1 =	vshrl.u32 v2, $0x10  }
0x82: {  	[tilespmem:$0x4C0] =	vst v1  }
0x83: {  	[tilespmem:s25], [sflag:$0x2] =	stream.indirect.gather [hbm4b:s1+s18], $0x80, s23, s18, $0xb8;
	[tilespmem:$0x1BE00] =	vst v63  }
0x84: {  	s24 =	sadd.s32 $0x20, s13;
	s14 =	simm.s32 $0x100;
	s12 =	simm.s32 $0x0  }
0x85: {  	[tilespmem:s14], [sflag:$0x9] =	stream.linear.gather [hbm4b:s24+s11], $0x80, $0x38;
	[tilespmem:$0x1BE00] =	vst v63  }
.LBB2_4:
0x86: {  	p0 =	seq.s32 s11, $0x0  }
0x87: {  	s14 =	simm.s32 @!p0 $0x6  }
0x88: {  	_ =	swait.ge @!p0 [sflag:s14], $0x2800  }
0x89: {  	p1 =	seq.s32 @!p0 s11, $0x7B0;
	[sflag:s14] =	ssyncset.done @!p0 $0x0  }
0x8a: {  	p1 =	por p0, !p1;
	[sflag:s14] =	ssyncadd.s32 @!p0 $0xFFFFD800  }
0x8b: {  	_ =	swait.ge @p1 [sflag:s8], $0x80  }
0x8c: {  	[sflag:s8] =	ssyncset.done @p1 $0x0  }
0x8d: {  	[sflag:s8] =	ssyncadd.s32 @p1 $0xFFFFFF80  }
0x8e: {  	v1 =	vld @p1 [tilespmem:$0x100];
	_ =	sdelay $0x1  }
0x8f: {  	v2 =	vld @p1 [tilespmem:$0x110];
	_ =	sdelay $0x1  }
0x90: {  	v3 =	vld @p1 [tilespmem:$0x120]  }
0x91: {  	v4 =	vand.u32 @p1 $0xFFFF, v1  }
0x92: {  	v1 =	vshrl.u32 @p1 v1, $0x10;
	[tilespmem:$0x300] =	vst @p1 v4;
	v4 =	vld @p1 [tilespmem:$0x130]  }
0x93: {  	[tilespmem:$0x500] =	vst @p1 v1;
	v1 =	vand.u32 @p1 $0xFFFF, v2  }
0x94: {  	[tilespmem:$0x310] =	vst @p1 v1;
	v1 =	vshrl.u32 @p1 v2, $0x10;
	v2 =	vld @p1 [tilespmem:$0x140]  }
0x95: {  	[tilespmem:$0x510] =	vst @p1 v1;
	v1 =	vand.u32 @p1 $0xFFFF, v3  }
0x96: {  	[tilespmem:$0x320] =	vst @p1 v1;
	v1 =	vshrl.u32 @p1 v3, $0x10  }
0x97: {  	[tilespmem:$0x520] =	vst @p1 v1;
	v1 =	vand.u32 @p1 $0xFFFF, v4  }
0x98: {  	[tilespmem:$0x330] =	vst @p1 v1;
	v1 =	vshrl.u32 @p1 v4, $0x10  }
0x99: {  	[tilespmem:$0x530] =	vst @p1 v1;
	v1 =	vand.u32 @p1 $0xFFFF, v2  }
0x9a: {  	[tilespmem:$0x340] =	vst @p1 v1;
	v1 =	vshrl.u32 @p1 v2, $0x10  }
0x9b: {  	s14 =	sadd.s32 @p1 s11, s13;
	[tilespmem:$0x540] =	vst @p1 v1  }
0x9c: {  	[tilespmem:s7], [sflag:$0x3] =	stream.indirect.gather @p1 [hbm4b:s1+s18], $0x80, s9, s18, $0xb8;
	[tilespmem:$0x1BE00] =	vst v63  }
0x9d: {  	s14 =	sadd.s32 @p1 $0x30, s14  }
0x9e: {  	[tilespmem:s4], [sflag:$0x7] =	stream.linear.gather @p1 [hbm4b:s14+s4], $0x80, $0x38;
	[tilespmem:$0x1BE00] =	vst v63  }
0x9f: {  	_ =	swait.ge [sflag:s28], $0x2800  }
0xa0: {  	p0 =	seq.s32 s11, $0x7B0;
	[sflag:s28] =	ssyncset.done $0x0  }
.Ltmp3:
0xa1: {  	[sflag:s28] =	ssyncadd.s32 $0xFFFFD800;
	(pc) =	sbr.rel @p0 .LBB2_8-.Ltmp3, $4  }
0xa2: {  	[spmem:s3] =	stream.indirect.scatter.add.f32 [tilespmem:s15], [sflag:$0x4], $0x80, s29, s18, $0xb8;
	[tilespmem:$0x1BE00] =	vst v63  }
0xa3: {  	_ =	swait.ge [sflag:s30], $0x2800  }
0xa4: {  	[sflag:s30] =	ssyncset.done $0x0  }
0xa5: {  	[sflag:s30] =	ssyncadd.s32 $0xFFFFD800  }
0xa6: {  	_ =	swait.ge [sflag:s17], $0x80  }
0xa7: {  	[sflag:s17] =	ssyncset.done $0x0  }
0xa8: {  	[sflag:s17] =	ssyncadd.s32 $0xFFFFFF80  }
0xa9: {  	v1 =	vld [tilespmem:$0x0];
	_ =	sdelay $0x1  }
0xaa: {  	v2 =	vld [tilespmem:$0x10];
	_ =	sdelay $0x1  }
0xab: {  	v3 =	vld [tilespmem:$0x20]  }
0xac: {  	v4 =	vand.u32 $0xFFFF, v1  }
0xad: {  	v61 =	vld [tilespmem:$0x30];
	v1 =	vshrl.u32 v1, $0x10;
	[tilespmem:$0x200] =	vst v4  }
0xae: {  	[tilespmem:$0x400] =	vst v1;
	v1 =	vand.u32 $0xFFFF, v2  }
0xaf: {  	[tilespmem:$0x210] =	vst v1;
	v1 =	vshrl.u32 v2, $0x10;
	v2 =	vld [tilespmem:$0x40]  }
0xb0: {  	[tilespmem:$0x410] =	vst v1;
	v1 =	vand.u32 $0xFFFF, v3  }
0xb1: {  	[tilespmem:$0x220] =	vst v1;
	v1 =	vshrl.u32 v3, $0x10  }
0xb2: {  	[tilespmem:$0x420] =	vst v1;
	v1 =	vand.u32 $0xFFFF, v61  }
0xb3: {  	[tilespmem:$0x230] =	vst v1;
	v1 =	vshrl.u32 v61, $0x10  }
0xb4: {  	[tilespmem:$0x430] =	vst v1;
	v1 =	vand.u32 $0xFFFF, v2  }
0xb5: {  	[tilespmem:$0x240] =	vst v1;
	v1 =	vshrl.u32 v2, $0x10  }
0xb6: {  	s14 =	sadd.s32 s11, s13;
	[tilespmem:$0x440] =	vst v1  }
0xb7: {  	[tilespmem:s15], [sflag:$0x1] =	stream.indirect.gather [hbm4b:s1+s18], $0x80, s19, s18, $0xb8;
	[tilespmem:$0x1BE00] =	vst v63  }
0xb8: {  	s14 =	sadd.s32 $0x40, s14  }
0xb9: {  	[tilespmem:s21], [sflag:$0x8] =	stream.linear.gather [hbm4b:s14+s4], $0x80, $0x38;
	[tilespmem:$0x1BE00] =	vst v63  }
0xba: {  	_ =	swait.ge [sflag:s31], $0x2800  }
0xbb: {  	[sflag:s31] =	ssyncset.done $0x0  }
0xbc: {  	[sflag:s31] =	ssyncadd.s32 $0xFFFFD800  }
0xbd: {  	[spmem:s3] =	stream.indirect.scatter.add.f32 [tilespmem:s25], [sflag:$0x5], $0x80, s0, s18, $0xb8;
	[tilespmem:$0x1BE00] =	vst v63  }
0xbe: {  	_ =	swait.ge [sflag:s2], $0x2800  }
0xbf: {  	[sflag:s2] =	ssyncset.done $0x0  }
0xc0: {  	[sflag:s2] =	ssyncadd.s32 $0xFFFFD800  }
0xc1: {  	_ =	swait.ge [sflag:s22], $0x80  }
0xc2: {  	[sflag:s22] =	ssyncset.done $0x0  }
0xc3: {  	[sflag:s22] =	ssyncadd.s32 $0xFFFFFF80  }
0xc4: {  	v1 =	vld [tilespmem:$0x80];
	_ =	sdelay $0x1  }
0xc5: {  	v2 =	vld [tilespmem:$0x90];
	_ =	sdelay $0x1  }
0xc6: {  	v3 =	vld [tilespmem:$0xA0]  }
0xc7: {  	v62 =	vand.u32 $0xFFFF, v1  }
0xc8: {  	v63 =	vld [tilespmem:$0xB0];
	v1 =	vshrl.u32 v1, $0x10;
	[tilespmem:$0x280] =	vst v62  }
0xc9: {  	[tilespmem:$0x480] =	vst v1;
	v1 =	vand.u32 $0xFFFF, v2  }
0xca: {  	[tilespmem:$0x290] =	vst v1;
	v1 =	vshrl.u32 v2, $0x10;
	v2 =	vld [tilespmem:$0xC0]  }
0xcb: {  	[tilespmem:$0x490] =	vst v1;
	v1 =	vand.u32 $0xFFFF, v3  }
0xcc: {  	[tilespmem:$0x2A0] =	vst v1;
	v1 =	vshrl.u32 v3, $0x10  }
0xcd: {  	[tilespmem:$0x4A0] =	vst v1;
	v1 =	vand.u32 $0xFFFF, v63  }
0xce: {  	[tilespmem:$0x2B0] =	vst v1;
	v1 =	vshrl.u32 v63, $0x10  }
0xcf: {  	[tilespmem:$0x4B0] =	vst v1;
	v1 =	vand.u32 $0xFFFF, v2  }
0xd0: {  	p0 =	sgt.u32 s12, $0x27;
	[tilespmem:$0x2C0] =	vst v1;
	v1 =	vshrl.u32 v2, $0x10  }
0xd1: {  	s20 =	simm.s32 @!p0 $0x0;
	s14 =	sadd.s32 @!p0 s11, s13;
	[tilespmem:$0x4C0] =	vst v1  }
0xd2: {  	[tilespmem:s25], [sflag:$0x2] =	stream.indirect.gather [hbm4b:s1+s18], $0x80, s23, s18, $0xb8;
	[tilespmem:$0x1BE00] =	vst v63  }
0xd3: {  	s24 =	simm.s32 @!p0 $0x100;
	s11 =	sadd.s32 $0x30, s11;
	s14 =	sadd.s32 @!p0 $0x50, s14  }
0xd4: {  	[tilespmem:s24], [sflag:$0x9] =	stream.linear.gather @!p0 [hbm4b:s14+s20], $0x80, $0x38;
	[tilespmem:$0x1BE00] =	vst v63  }
0xd5: {  	p0 =	sne.s32 s11, $0x7E0  }
.Ltmp4:
0xd6: {  	_ = 	snop;
	(pc) =	sbr.rel @p0 .LBB2_4-.Ltmp4, $4  }
.Ltmp5:
0xd7: {  	_ =	swait.ge [sflag:s26], $0x2800;
	(pc) =	sbr.rel @!p0 .LBB2_6-.Ltmp5, $4  }
0xd8: {  	[sflag:s26] =	ssyncset.done $0x0  }
0xd9: {  	s12 =	sadd.s32 $0x1, s12;
	[sflag:s26] =	ssyncadd.s32 $0xFFFFD800  }
0xda: {  	[spmem:s3] =	stream.indirect.scatter.add.f32 [tilespmem:s7], [sflag:$0x6], $0x80, s6, s18, $0xb8;
	[tilespmem:$0x1BE00] =	vst v63  }
0xdb: {  	_ = 	snop  }
.LBB2_7:
0xdc: {  	_ =	sfence.sel $0x180000  }
0xdd: {  	[bflag:$0x0] =	sbarrier.arrive $0xFFFF  }
0xde: {  	_ =	strace $0x90000047  }
0xdf: {  	s0 =	stileid.u32;
	[bflag:$0x2] =	sbarrier.arrive $0xFFFF  }
0xe0: {  	p0 =	sne.s32 s0, $0x0;
	s0 =	rddreg [dreg:$0x4]  }
0xe1: {  	s0 =	sadd.s32 @!p0 $0x100000, s0  }
0xe2: {  	[sflag:s0] =	ssyncadd.tile.s32 @!p0 $0x1;
	_ =	shalt  }
.Lfunc_end2:
_tile_overlayer_lowered:
.L_overlay_start_2:
0xe3: {  	(tag) =	ssettag $0x2  }
0xe4: {  	s0 =	rddreg [dreg:$0x0];
	s2 =	stileid.u32  }
0xe5: {  	s1 =	rddreg [dreg:$0x1];
	p0 =	sne.s32 s2, $0x0  }
0xe6: {  	s3 =	rddreg [dreg:$0x2];
	[bflag:$0x3] =	sbarrier.arrive $0xFFFF;
	s2 =	simm.s32 @!p0 $0x1C0A  }
0xe7: {  	[timem:s3], [sflag:s2] =	dma.local @!p0 [hbm:s0], s1  }
0xe8: {  	s0 =	simm.s32 @!p0 $0xA  }
0xe9: {  	_ =	swait.ge @!p0 [sflag:s0], s1  }
0xea: {  	s1 =	ssub.s32 @!p0 $0x0, s1;
	[sflag:s0] =	ssyncset.done @!p0 $0x0  }
0xeb: {  	[sflag:s0] =	ssyncadd.s32 @!p0 s1  }
0xec: {  	[bflag:$0x3] =	sbarrier.arrive $0xFFFF  }
0xed: {  	_ =	shalt  }

</sc_bundles>
